<compile_context>
chip_gen: v7x
topology: tpu7x:2x2x1
jax: 0.10.2.dev20260603
libtpu: 0.0.44.dev20260713+nightly
codegen_flags: <defaults>
</compile_context>

<pallas_src>
import functools

import jax
import jax.numpy as jnp
from jax import lax
from jax.experimental import pallas as pl
from jax.experimental.pallas import tpu as pltpu
from jax.experimental.pallas import tpu_sc as plsc

N_NODES = 256
N_OUT = 64
BATCH = 16384
LANES = 16
NUM_WORKERS = 32
ROWS_PER_WORKER = BATCH // NUM_WORKERS
CHUNK = 128
N_CHUNKS = ROWS_PER_WORKER // CHUNK
N_GROUPS = N_OUT // LANES
NBUF = 2

_mesh = plsc.VectorSubcoreMesh(core_axis_name="c", subcore_axis_name="s")


@functools.partial(
    pl.kernel,
    mesh=_mesh,
    out_type=jax.ShapeDtypeStruct((BATCH, N_OUT), jnp.float32),
    compiler_params=pltpu.CompilerParams(
        needs_layout_passes=False,
    ),
    scratch_types=[
        pltpu.VMEM((N_OUT,), jnp.int32),
        pltpu.VMEM((N_OUT,), jnp.float32),
        pltpu.VMEM((NBUF, CHUNK, N_NODES), jnp.float32),
        pltpu.VMEM((NBUF, CHUNK, N_OUT), jnp.float32),
        pltpu.SemaphoreType.DMA,
        pltpu.SemaphoreType.DMA,
    ],
)
def _gather_scale(
    y_hbm, w_hbm, idx_hbm, out_hbm, idx_v, w_v, in_v, out_v, in_sem, out_sem
):
    wid = lax.axis_index("s") * 2 + lax.axis_index("c")
    row0 = wid * ROWS_PER_WORKER

    pltpu.sync_copy(idx_hbm, idx_v)
    pltpu.sync_copy(w_hbm, w_v)

    idx_vecs = [idx_v[pl.ds(g * LANES, LANES)] for g in range(N_GROUPS)]
    w_vecs = [w_v[pl.ds(g * LANES, LANES)] for g in range(N_GROUPS)]

    def start_in(c, buf):
        pltpu.async_copy(
            y_hbm.at[pl.ds(row0 + c * CHUNK, CHUNK)], in_v.at[buf], in_sem
        )

    start_in(0, 0)
    for c in range(N_CHUNKS):
        buf = c % NBUF
        if c + 1 < N_CHUNKS:
            start_in(c + 1, (c + 1) % NBUF)
        pltpu.make_async_copy(
            y_hbm.at[pl.ds(row0, CHUNK)], in_v.at[buf], in_sem
        ).wait()
        if c >= NBUF:
            pltpu.make_async_copy(
                out_v.at[buf], out_hbm.at[pl.ds(row0, CHUNK)], out_sem
            ).wait()

        in_c = in_v.at[buf]
        out_c = out_v.at[buf]

        @plsc.parallel_loop(0, CHUNK, unroll=4)
        def body(r):
            row_idx = lax.broadcast(r, (LANES,))
            for g in range(N_GROUPS):
                vals = plsc.load_gather(in_c, [row_idx, idx_vecs[g]])
                out_c[r, pl.ds(g * LANES, LANES)] = vals * w_vecs[g]

        pltpu.async_copy(
            out_c, out_hbm.at[pl.ds(row0 + c * CHUNK, CHUNK)], out_sem
        )

    for _ in range(min(NBUF, N_CHUNKS)):
        pltpu.make_async_copy(
            out_v.at[0], out_hbm.at[pl.ds(row0, CHUNK)], out_sem
        ).wait()


def kernel(Y_full, weights, output_node_order):
    return _gather_scale(Y_full, weights, output_node_order)

# --- scband reference (transcript-rebuilt; emitter-appended) ---
"""Pipeline reference for scband-project-output-66039417143417 (READ-ONLY COPY).

The authoritative reference and input builder live on the scoring server;
editing this copy changes nothing except your own understanding.
"""

import jax, jax.numpy as jnp
import numpy as np

N_NODES = 256
N_OUT = 64
BATCH = 16384
PROJECTION_AMPLITUDE = 1.2


def setup_inputs(seed: int = 0) -> dict:
    key = jax.random.key(seed)
    k1 = jax.random.fold_in(key, 1)
    Y_full = jax.random.normal(k1, (BATCH, N_NODES), dtype=jnp.float32)
    # output_node_order = [node_idx_map[x] for x in output_labels] -> every 4th node
    output_node_order = jnp.arange(0, N_NODES, 4, dtype=jnp.int32)
    # learned parameter: weights initialized to projection_amplitude * ones
    weights = PROJECTION_AMPLITUDE * jnp.ones((N_OUT,), dtype=jnp.float32)
    return {"Y_full": Y_full, "weights": weights, "output_node_order": output_node_order}


def reference(Y_full, weights, output_node_order):
    # Y_hat = weights * Y_full[:, output_node_order]
    gathered = jnp.take(Y_full, output_node_order, axis=1)
    Y_hat = weights * gathered
    return Y_hat

if __name__ == "__main__":
    import jax
    _d = setup_inputs()
    print(jax.jit(kernel)(*tuple(_d.values())))

</pallas_src>

<mosaic_0001>
#map = affine_map<(d0, d1) -> (0, 0)>
#map1 = affine_map<(d0, d1) -> (0)>
module attributes {stable_mosaic.version = 14 : i64} {
  func.func @_gather_scale(%arg0: i32, %arg1: i32, %arg2: memref<16384x256xf32, #tpu.memory_space<hbm>>, %arg3: memref<64xf32, #tpu.memory_space<hbm>>, %arg4: memref<64xi32, #tpu.memory_space<hbm>>, %arg5: memref<16384x64xf32, #tpu.memory_space<hbm>>, %arg6: memref<64xi32, #tpu.memory_space<vmem>>, %arg7: memref<64xf32, #tpu.memory_space<vmem>>, %arg8: memref<2x128x256xf32, #tpu.memory_space<vmem>>, %arg9: memref<2x128x64xf32, #tpu.memory_space<vmem>>, %arg10: memref<!tpu.dma_semaphore, #tpu.memory_space<semaphore_mem>>, %arg11: memref<!tpu.dma_semaphore, #tpu.memory_space<semaphore_mem>>) attributes {dimension_semantics = [#tpu.dimension_semantics<core_parallel>, #tpu.dimension_semantics<subcore_parallel>], iteration_bounds = array<i64: 2, 16>, scalar_prefetch = 0 : i64, scratch_operands = 6 : i64, tpu.core_type = #tpu.core_type<sc_vector_subcore>, window_params = [{transform_indices = #map}, {transform_indices = #map1}, {transform_indices = #map1}, {transform_indices = #map}]} {
    %mul3A = arith.constant 2 : i32
    %mul3A_0 = arith.muli %arg1, %mul3A : i32
    %add3A = arith.addi %mul3A_0, %arg0 : i32
    %mul3A_1 = arith.constant 512 : i32
    %mul3A_2 = arith.muli %add3A, %mul3A_1 : i32
    "tpu.region"() ({
      %run_scoped3A = tpu.sem_alloc : memref<!tpu.dma_semaphore, #tpu.memory_space<semaphore_mem>>
      tpu.enqueue_dma source(%arg4 : memref<64xi32, #tpu.memory_space<hbm>>) target(%arg6 : memref<64xi32, #tpu.memory_space<vmem>>) target_semaphore(%run_scoped3A : memref<!tpu.dma_semaphore, #tpu.memory_space<semaphore_mem>>)
      tpu.wait_dma2 semaphore(%run_scoped3A : memref<!tpu.dma_semaphore, #tpu.memory_space<semaphore_mem>>) src(%arg4 : memref<64xi32, #tpu.memory_space<hbm>>) dst(%arg6 : memref<64xi32, #tpu.memory_space<vmem>>)
      tpu.yield
    }) : () -> ()
    "tpu.region"() ({
      %run_scoped3A = tpu.sem_alloc : memref<!tpu.dma_semaphore, #tpu.memory_space<semaphore_mem>>
      tpu.enqueue_dma source(%arg3 : memref<64xf32, #tpu.memory_space<hbm>>) target(%arg7 : memref<64xf32, #tpu.memory_space<vmem>>) target_semaphore(%run_scoped3A : memref<!tpu.dma_semaphore, #tpu.memory_space<semaphore_mem>>)
      tpu.wait_dma2 semaphore(%run_scoped3A : memref<!tpu.dma_semaphore, #tpu.memory_space<semaphore_mem>>) src(%arg3 : memref<64xf32, #tpu.memory_space<hbm>>) dst(%arg7 : memref<64xf32, #tpu.memory_space<vmem>>)
      tpu.yield
    }) : () -> ()
    %get3A = arith.constant 0 : index
    %get3A_3 = tpu.vector_load %arg6[%get3A] {strides = array<i32>} : memref<64xi32, #tpu.memory_space<vmem>>, vector<16xi32>,
    %get3A_4 = arith.constant 16 : index
    %get3A_5 = tpu.vector_load %arg6[%get3A_4] {strides = array<i32>} : memref<64xi32, #tpu.memory_space<vmem>>, vector<16xi32>,
    %get3A_6 = arith.constant 32 : index
    %get3A_7 = tpu.vector_load %arg6[%get3A_6] {strides = array<i32>} : memref<64xi32, #tpu.memory_space<vmem>>, vector<16xi32>,
    %get3A_8 = arith.constant 48 : index
    %get3A_9 = tpu.vector_load %arg6[%get3A_8] {strides = array<i32>} : memref<64xi32, #tpu.memory_space<vmem>>, vector<16xi32>,
    %get3A_10 = arith.constant 0 : index
    %get3A_11 = tpu.vector_load %arg7[%get3A_10] {strides = array<i32>} : memref<64xf32, #tpu.memory_space<vmem>>, vector<16xf32>,
    %get3A_12 = arith.constant 16 : index
    %get3A_13 = tpu.vector_load %arg7[%get3A_12] {strides = array<i32>} : memref<64xf32, #tpu.memory_space<vmem>>, vector<16xf32>,
    %get3A_14 = arith.constant 32 : index
    %get3A_15 = tpu.vector_load %arg7[%get3A_14] {strides = array<i32>} : memref<64xf32, #tpu.memory_space<vmem>>, vector<16xf32>,
    %get3A_16 = arith.constant 48 : index
    %get3A_17 = tpu.vector_load %arg7[%get3A_16] {strides = array<i32>} : memref<64xf32, #tpu.memory_space<vmem>>, vector<16xf32>,
    %add3A_18 = arith.constant 0 : i32
    %add3A_19 = arith.addi %mul3A_2, %add3A_18 : i32
    %dma_start3A = arith.constant 0 : i32
    %dma_start3A_20 = arith.constant 0 : i32
    %dma_start3A_21 = arith.constant 0 : i32
    %dma_start3A_22 = tpu.memref_slice %arg8[%dma_start3A, %dma_start3A_20, %dma_start3A_21] : memref<2x128x256xf32, #tpu.memory_space<vmem>> -> memref<1x128x256xf32, #tpu.memory_space<vmem>>
    %dma_start3A_23 = tpu.memref_squeeze %dma_start3A_22 : memref<1x128x256xf32, #tpu.memory_space<vmem>> -> memref<128x256xf32, #tpu.memory_space<vmem>>
    %dma_start3A_24 = arith.constant 0 : i32
    %dma_start3A_25 = tpu.memref_slice %arg2[%add3A_19, %dma_start3A_24] : memref<16384x256xf32, #tpu.memory_space<hbm>> -> memref<128x256xf32, #tpu.memory_space<hbm>>
    %dma_start3A_26 = arith.constant 0 : i32
    %dma_start3A_27 = arith.constant 0 : i32
    %dma_start3A_28 = tpu.memref_slice %arg8[%dma_start3A, %dma_start3A_26, %dma_start3A_27] : memref<2x128x256xf32, #tpu.memory_space<vmem>> -> memref<1x128x256xf32, #tpu.memory_space<vmem>>
    %dma_start3A_29 = tpu.memref_squeeze %dma_start3A_28 : memref<1x128x256xf32, #tpu.memory_space<vmem>> -> memref<128x256xf32, #tpu.memory_space<vmem>>
    %dma_start3A_30 = arith.constant 0 : i32
    %dma_start3A_31 = tpu.memref_slice %arg2[%add3A_19, %dma_start3A_30] : memref<16384x256xf32, #tpu.memory_space<hbm>> -> memref<128x256xf32, #tpu.memory_space<hbm>>
    tpu.enqueue_dma source(%dma_start3A_31 : memref<128x256xf32, #tpu.memory_space<hbm>>) target(%dma_start3A_29 : memref<128x256xf32, #tpu.memory_space<vmem>>) target_semaphore(%arg10 : memref<!tpu.dma_semaphore, #tpu.memory_space<semaphore_mem>>)
    %add3A_32 = arith.constant 128 : i32
    %add3A_33 = arith.addi %mul3A_2, %add3A_32 : i32
    %dma_start3A_34 = arith.constant 1 : i32
    %dma_start3A_35 = arith.constant 0 : i32
    %dma_start3A_36 = arith.constant 0 : i32
    %dma_start3A_37 = tpu.memref_slice %arg8[%dma_start3A_34, %dma_start3A_35, %dma_start3A_36] : memref<2x128x256xf32, #tpu.memory_space<vmem>> -> memref<1x128x256xf32, #tpu.memory_space<vmem>>
    %dma_start3A_38 = tpu.memref_squeeze %dma_start3A_37 : memref<1x128x256xf32, #tpu.memory_space<vmem>> -> memref<128x256xf32, #tpu.memory_space<vmem>>
    %dma_start3A_39 = arith.constant 0 : i32
    %dma_start3A_40 = tpu.memref_slice %arg2[%add3A_33, %dma_start3A_39] : memref<16384x256xf32, #tpu.memory_space<hbm>> -> memref<128x256xf32, #tpu.memory_space<hbm>>
    %dma_start3A_41 = arith.constant 0 : i32
    %dma_start3A_42 = arith.constant 0 : i32
    %dma_start3A_43 = tpu.memref_slice %arg8[%dma_start3A_34, %dma_start3A_41, %dma_start3A_42] : memref<2x128x256xf32, #tpu.memory_space<vmem>> -> memref<1x128x256xf32, #tpu.memory_space<vmem>>
    %dma_start3A_44 = tpu.memref_squeeze %dma_start3A_43 : memref<1x128x256xf32, #tpu.memory_space<vmem>> -> memref<128x256xf32, #tpu.memory_space<vmem>>
    %dma_start3A_45 = arith.constant 0 : i32
    %dma_start3A_46 = tpu.memref_slice %arg2[%add3A_33, %dma_start3A_45] : memref<16384x256xf32, #tpu.memory_space<hbm>> -> memref<128x256xf32, #tpu.memory_space<hbm>>
    tpu.enqueue_dma source(%dma_start3A_46 : memref<128x256xf32, #tpu.memory_space<hbm>>) target(%dma_start3A_44 : memref<128x256xf32, #tpu.memory_space<vmem>>) target_semaphore(%arg10 : memref<!tpu.dma_semaphore, #tpu.memory_space<semaphore_mem>>)
    %dma_wait3A = arith.constant 0 : i32
    %dma_wait3A_47 = arith.constant 0 : i32
    %dma_wait3A_48 = arith.constant 0 : i32
    %dma_wait3A_49 = tpu.memref_slice %arg8[%dma_wait3A, %dma_wait3A_47, %dma_wait3A_48] : memref<2x128x256xf32, #tpu.memory_space<vmem>> -> memref<1x128x256xf32, #tpu.memory_space<vmem>>
    %dma_wait3A_50 = tpu.memref_squeeze %dma_wait3A_49 : memref<1x128x256xf32, #tpu.memory_space<vmem>> -> memref<128x256xf32, #tpu.memory_space<vmem>>
    %dma_wait3A_51 = arith.constant 0 : i32
    %dma_wait3A_52 = tpu.memref_slice %arg2[%mul3A_2, %dma_wait3A_51] : memref<16384x256xf32, #tpu.memory_space<hbm>> -> memref<128x256xf32, #tpu.memory_space<hbm>>
    %dma_wait3A_53 = arith.constant 0 : i32
    %dma_wait3A_54 = arith.constant 0 : i32
    %dma_wait3A_55 = tpu.memref_slice %arg8[%dma_wait3A, %dma_wait3A_53, %dma_wait3A_54] : memref<2x128x256xf32, #tpu.memory_space<vmem>> -> memref<1x128x256xf32, #tpu.memory_space<vmem>>
    %dma_wait3A_56 = tpu.memref_squeeze %dma_wait3A_55 : memref<1x128x256xf32, #tpu.memory_space<vmem>> -> memref<128x256xf32, #tpu.memory_space<vmem>>
    %dma_wait3A_57 = arith.constant 0 : i32
    %dma_wait3A_58 = tpu.memref_slice %arg2[%mul3A_2, %dma_wait3A_57] : memref<16384x256xf32, #tpu.memory_space<hbm>> -> memref<128x256xf32, #tpu.memory_space<hbm>>
    tpu.wait_dma2 semaphore(%arg10 : memref<!tpu.dma_semaphore, #tpu.memory_space<semaphore_mem>>) src(%dma_wait3A_58 : memref<128x256xf32, #tpu.memory_space<hbm>>) dst(%dma_wait3A_56 : memref<128x256xf32, #tpu.memory_space<vmem>>)
    %parallel_loop3A = arith.constant 0 : i32
    %parallel_loop3A_59 = arith.constant 128 : i32
    %parallel_loop3A_60 = arith.constant 1 : i32
    %parallel_loop3A_61 = arith.constant 0 : i32
    %parallel_loop3A_62 = arith.constant 0 : i32
    scf.for %parallel_loop3A_259 = %parallel_loop3A to %parallel_loop3A_59 step %parallel_loop3A_60  : i32 {
      %parallel_loop3A_260 = vector.broadcast %parallel_loop3A_259 : i32 to vector<16xi32>
      %parallel_loop3A_261 = arith.constant 0 : i32
      %parallel_loop3A_262 = arith.constant 0 : i32
      %parallel_loop3A_263 = tpu.memref_slice %arg8[%parallel_loop3A_61, %parallel_loop3A_261, %parallel_loop3A_262] : memref<2x128x256xf32, #tpu.memory_space<vmem>> -> memref<1x128x256xf32, #tpu.memory_space<vmem>>
      %parallel_loop3A_264 = tpu.memref_squeeze %parallel_loop3A_263 : memref<1x128x256xf32, #tpu.memory_space<vmem>> -> memref<128x256xf32, #tpu.memory_space<vmem>>
      %parallel_loop3A_265 = tpu.vector_load_idx %parallel_loop3A_264[%parallel_loop3A_260, %get3A_3] : memref<128x256xf32, #tpu.memory_space<vmem>>[vector<16xi32>, vector<16xi32>], vector<16xf32>,
      %parallel_loop3A_266 = arith.mulf %parallel_loop3A_265, %get3A_11 : vector<16xf32>
      %parallel_loop3A_267 = arith.constant 0 : i32
      %parallel_loop3A_268 = arith.constant 0 : i32
      %parallel_loop3A_269 = tpu.memref_slice %arg9[%parallel_loop3A_62, %parallel_loop3A_267, %parallel_loop3A_268] : memref<2x128x64xf32, #tpu.memory_space<vmem>> -> memref<1x128x64xf32, #tpu.memory_space<vmem>>
      %parallel_loop3A_270 = tpu.memref_squeeze %parallel_loop3A_269 : memref<1x128x64xf32, #tpu.memory_space<vmem>> -> memref<128x64xf32, #tpu.memory_space<vmem>>
      %parallel_loop3A_271 = arith.index_cast %parallel_loop3A_259 : i32 to index
      %parallel_loop3A_272 = arith.constant 0 : index
      %parallel_loop3A_273 = tpu.vector_load %parallel_loop3A_270[%parallel_loop3A_271, %parallel_loop3A_272] {strides = array<i32>} : memref<128x64xf32, #tpu.memory_space<vmem>>, vector<16xf32>,
      tpu.vector_store %parallel_loop3A_270[%parallel_loop3A_271, %parallel_loop3A_272], %parallel_loop3A_266 {strides = array<i32>} : memref<128x64xf32, #tpu.memory_space<vmem>>, vector<16xf32>,
      %parallel_loop3A_274 = arith.constant 0 : i32
      %parallel_loop3A_275 = arith.constant 0 : i32
      %parallel_loop3A_276 = tpu.memref_slice %arg8[%parallel_loop3A_61, %parallel_loop3A_274, %parallel_loop3A_275] : memref<2x128x256xf32, #tpu.memory_space<vmem>> -> memref<1x128x256xf32, #tpu.memory_space<vmem>>
      %parallel_loop3A_277 = tpu.memref_squeeze %parallel_loop3A_276 : memref<1x128x256xf32, #tpu.memory_space<vmem>> -> memref<128x256xf32, #tpu.memory_space<vmem>>
      %parallel_loop3A_278 = tpu.vector_load_idx %parallel_loop3A_277[%parallel_loop3A_260, %get3A_5] : memref<128x256xf32, #tpu.memory_space<vmem>>[vector<16xi32>, vector<16xi32>], vector<16xf32>,
      %parallel_loop3A_279 = arith.mulf %parallel_loop3A_278, %get3A_13 : vector<16xf32>
      %parallel_loop3A_280 = arith.constant 0 : i32
      %parallel_loop3A_281 = arith.constant 0 : i32
      %parallel_loop3A_282 = tpu.memref_slice %arg9[%parallel_loop3A_62, %parallel_loop3A_280, %parallel_loop3A_281] : memref<2x128x64xf32, #tpu.memory_space<vmem>> -> memref<1x128x64xf32, #tpu.memory_space<vmem>>
      %parallel_loop3A_283 = tpu.memref_squeeze %parallel_loop3A_282 : memref<1x128x64xf32, #tpu.memory_space<vmem>> -> memref<128x64xf32, #tpu.memory_space<vmem>>
      %parallel_loop3A_284 = arith.index_cast %parallel_loop3A_259 : i32 to index
      %parallel_loop3A_285 = arith.constant 16 : index
      %parallel_loop3A_286 = tpu.vector_load %parallel_loop3A_283[%parallel_loop3A_284, %parallel_loop3A_285] {strides = array<i32>} : memref<128x64xf32, #tpu.memory_space<vmem>>, vector<16xf32>,
      tpu.vector_store %parallel_loop3A_283[%parallel_loop3A_284, %parallel_loop3A_285], %parallel_loop3A_279 {strides = array<i32>} : memref<128x64xf32, #tpu.memory_space<vmem>>, vector<16xf32>,
      %parallel_loop3A_287 = arith.constant 0 : i32
      %parallel_loop3A_288 = arith.constant 0 : i32
      %parallel_loop3A_289 = tpu.memref_slice %arg8[%parallel_loop3A_61, %parallel_loop3A_287, %parallel_loop3A_288] : memref<2x128x256xf32, #tpu.memory_space<vmem>> -> memref<1x128x256xf32, #tpu.memory_space<vmem>>
      %parallel_loop3A_290 = tpu.memref_squeeze %parallel_loop3A_289 : memref<1x128x256xf32, #tpu.memory_space<vmem>> -> memref<128x256xf32, #tpu.memory_space<vmem>>
      %parallel_loop3A_291 = tpu.vector_load_idx %parallel_loop3A_290[%parallel_loop3A_260, %get3A_7] : memref<128x256xf32, #tpu.memory_space<vmem>>[vector<16xi32>, vector<16xi32>], vector<16xf32>,
      %parallel_loop3A_292 = arith.mulf %parallel_loop3A_291, %get3A_15 : vector<16xf32>
      %parallel_loop3A_293 = arith.constant 0 : i32
      %parallel_loop3A_294 = arith.constant 0 : i32
      %parallel_loop3A_295 = tpu.memref_slice %arg9[%parallel_loop3A_62, %parallel_loop3A_293, %parallel_loop3A_294] : memref<2x128x64xf32, #tpu.memory_space<vmem>> -> memref<1x128x64xf32, #tpu.memory_space<vmem>>
      %parallel_loop3A_296 = tpu.memref_squeeze %parallel_loop3A_295 : memref<1x128x64xf32, #tpu.memory_space<vmem>> -> memref<128x64xf32, #tpu.memory_space<vmem>>
      %parallel_loop3A_297 = arith.index_cast %parallel_loop3A_259 : i32 to index
      %parallel_loop3A_298 = arith.constant 32 : index
      %parallel_loop3A_299 = tpu.vector_load %parallel_loop3A_296[%parallel_loop3A_297, %parallel_loop3A_298] {strides = array<i32>} : memref<128x64xf32, #tpu.memory_space<vmem>>, vector<16xf32>,
      tpu.vector_store %parallel_loop3A_296[%parallel_loop3A_297, %parallel_loop3A_298], %parallel_loop3A_292 {strides = array<i32>} : memref<128x64xf32, #tpu.memory_space<vmem>>, vector<16xf32>,
      %parallel_loop3A_300 = arith.constant 0 : i32
      %parallel_loop3A_301 = arith.constant 0 : i32
      %parallel_loop3A_302 = tpu.memref_slice %arg8[%parallel_loop3A_61, %parallel_loop3A_300, %parallel_loop3A_301] : memref<2x128x256xf32, #tpu.memory_space<vmem>> -> memref<1x128x256xf32, #tpu.memory_space<vmem>>
      %parallel_loop3A_303 = tpu.memref_squeeze %parallel_loop3A_302 : memref<1x128x256xf32, #tpu.memory_space<vmem>> -> memref<128x256xf32, #tpu.memory_space<vmem>>
      %parallel_loop3A_304 = tpu.vector_load_idx %parallel_loop3A_303[%parallel_loop3A_260, %get3A_9] : memref<128x256xf32, #tpu.memory_space<vmem>>[vector<16xi32>, vector<16xi32>], vector<16xf32>,
      %parallel_loop3A_305 = arith.mulf %parallel_loop3A_304, %get3A_17 : vector<16xf32>
      %parallel_loop3A_306 = arith.constant 0 : i32
      %parallel_loop3A_307 = arith.constant 0 : i32
      %parallel_loop3A_308 = tpu.memref_slice %arg9[%parallel_loop3A_62, %parallel_loop3A_306, %parallel_loop3A_307] : memref<2x128x64xf32, #tpu.memory_space<vmem>> -> memref<1x128x64xf32, #tpu.memory_space<vmem>>
      %parallel_loop3A_309 = tpu.memref_squeeze %parallel_loop3A_308 : memref<1x128x64xf32, #tpu.memory_space<vmem>> -> memref<128x64xf32, #tpu.memory_space<vmem>>
      %parallel_loop3A_310 = arith.index_cast %parallel_loop3A_259 : i32 to index
      %parallel_loop3A_311 = arith.constant 48 : index
      %parallel_loop3A_312 = tpu.vector_load %parallel_loop3A_309[%parallel_loop3A_310, %parallel_loop3A_311] {strides = array<i32>} : memref<128x64xf32, #tpu.memory_space<vmem>>, vector<16xf32>,
      tpu.vector_store %parallel_loop3A_309[%parallel_loop3A_310, %parallel_loop3A_311], %parallel_loop3A_305 {strides = array<i32>} : memref<128x64xf32, #tpu.memory_space<vmem>>, vector<16xf32>,
    } {sc.loop_unroll_factor = 4 : i64, sc.parallel_access}
    %add3A_63 = arith.constant 0 : i32
    %add3A_64 = arith.addi %mul3A_2, %add3A_63 : i32
    %dma_start3A_65 = arith.constant 0 : i32
    %dma_start3A_66 = arith.constant 0 : i32
    %dma_start3A_67 = arith.constant 0 : i32
    %dma_start3A_68 = tpu.memref_slice %arg9[%dma_start3A_65, %dma_start3A_66, %dma_start3A_67] : memref<2x128x64xf32, #tpu.memory_space<vmem>> -> memref<1x128x64xf32, #tpu.memory_space<vmem>>
    %dma_start3A_69 = tpu.memref_squeeze %dma_start3A_68 : memref<1x128x64xf32, #tpu.memory_space<vmem>> -> memref<128x64xf32, #tpu.memory_space<vmem>>
    %dma_start3A_70 = arith.constant 0 : i32
    %dma_start3A_71 = tpu.memref_slice %arg5[%add3A_64, %dma_start3A_70] : memref<16384x64xf32, #tpu.memory_space<hbm>> -> memref<128x64xf32, #tpu.memory_space<hbm>>
    %dma_start3A_72 = arith.constant 0 : i32
    %dma_start3A_73 = tpu.memref_slice %arg5[%add3A_64, %dma_start3A_72] : memref<16384x64xf32, #tpu.memory_space<hbm>> -> memref<128x64xf32, #tpu.memory_space<hbm>>
    %dma_start3A_74 = arith.constant 0 : i32
    %dma_start3A_75 = arith.constant 0 : i32
    %dma_start3A_76 = tpu.memref_slice %arg9[%dma_start3A_65, %dma_start3A_74, %dma_start3A_75] : memref<2x128x64xf32, #tpu.memory_space<vmem>> -> memref<1x128x64xf32, #tpu.memory_space<vmem>>
    %dma_start3A_77 = tpu.memref_squeeze %dma_start3A_76 : memref<1x128x64xf32, #tpu.memory_space<vmem>> -> memref<128x64xf32, #tpu.memory_space<vmem>>
    tpu.enqueue_dma source(%dma_start3A_77 : memref<128x64xf32, #tpu.memory_space<vmem>>) target(%dma_start3A_73 : memref<128x64xf32, #tpu.memory_space<hbm>>) target_semaphore(%arg11 : memref<!tpu.dma_semaphore, #tpu.memory_space<semaphore_mem>>)
    %add3A_78 = arith.constant 256 : i32
    %add3A_79 = arith.addi %mul3A_2, %add3A_78 : i32
    %dma_start3A_80 = arith.constant 0 : i32
    %dma_start3A_81 = arith.constant 0 : i32
    %dma_start3A_82 = arith.constant 0 : i32
    %dma_start3A_83 = tpu.memref_slice %arg8[%dma_start3A_80, %dma_start3A_81, %dma_start3A_82] : memref<2x128x256xf32, #tpu.memory_space<vmem>> -> memref<1x128x256xf32, #tpu.memory_space<vmem>>
    %dma_start3A_84 = tpu.memref_squeeze %dma_start3A_83 : memref<1x128x256xf32, #tpu.memory_space<vmem>> -> memref<128x256xf32, #tpu.memory_space<vmem>>
    %dma_start3A_85 = arith.constant 0 : i32
    %dma_start3A_86 = tpu.memref_slice %arg2[%add3A_79, %dma_start3A_85] : memref<16384x256xf32, #tpu.memory_space<hbm>> -> memref<128x256xf32, #tpu.memory_space<hbm>>
    %dma_start3A_87 = arith.constant 0 : i32
    %dma_start3A_88 = arith.constant 0 : i32
    %dma_start3A_89 = tpu.memref_slice %arg8[%dma_start3A_80, %dma_start3A_87, %dma_start3A_88] : memref<2x128x256xf32, #tpu.memory_space<vmem>> -> memref<1x128x256xf32, #tpu.memory_space<vmem>>
    %dma_start3A_90 = tpu.memref_squeeze %dma_start3A_89 : memref<1x128x256xf32, #tpu.memory_space<vmem>> -> memref<128x256xf32, #tpu.memory_space<vmem>>
    %dma_start3A_91 = arith.constant 0 : i32
    %dma_start3A_92 = tpu.memref_slice %arg2[%add3A_79, %dma_start3A_91] : memref<16384x256xf32, #tpu.memory_space<hbm>> -> memref<128x256xf32, #tpu.memory_space<hbm>>
    tpu.enqueue_dma source(%dma_start3A_92 : memref<128x256xf32, #tpu.memory_space<hbm>>) target(%dma_start3A_90 : memref<128x256xf32, #tpu.memory_space<vmem>>) target_semaphore(%arg10 : memref<!tpu.dma_semaphore, #tpu.memory_space<semaphore_mem>>)
    %dma_wait3A_93 = arith.constant 1 : i32
    %dma_wait3A_94 = arith.constant 0 : i32
    %dma_wait3A_95 = arith.constant 0 : i32
    %dma_wait3A_96 = tpu.memref_slice %arg8[%dma_wait3A_93, %dma_wait3A_94, %dma_wait3A_95] : memref<2x128x256xf32, #tpu.memory_space<vmem>> -> memref<1x128x256xf32, #tpu.memory_space<vmem>>
    %dma_wait3A_97 = tpu.memref_squeeze %dma_wait3A_96 : memref<1x128x256xf32, #tpu.memory_space<vmem>> -> memref<128x256xf32, #tpu.memory_space<vmem>>
    %dma_wait3A_98 = arith.constant 0 : i32
    %dma_wait3A_99 = tpu.memref_slice %arg2[%mul3A_2, %dma_wait3A_98] : memref<16384x256xf32, #tpu.memory_space<hbm>> -> memref<128x256xf32, #tpu.memory_space<hbm>>
    %dma_wait3A_100 = arith.constant 0 : i32
    %dma_wait3A_101 = arith.constant 0 : i32
    %dma_wait3A_102 = tpu.memref_slice %arg8[%dma_wait3A_93, %dma_wait3A_100, %dma_wait3A_101] : memref<2x128x256xf32, #tpu.memory_space<vmem>> -> memref<1x128x256xf32, #tpu.memory_space<vmem>>
    %dma_wait3A_103 = tpu.memref_squeeze %dma_wait3A_102 : memref<1x128x256xf32, #tpu.memory_space<vmem>> -> memref<128x256xf32, #tpu.memory_space<vmem>>
    %dma_wait3A_104 = arith.constant 0 : i32
    %dma_wait3A_105 = tpu.memref_slice %arg2[%mul3A_2, %dma_wait3A_104] : memref<16384x256xf32, #tpu.memory_space<hbm>> -> memref<128x256xf32, #tpu.memory_space<hbm>>
    tpu.wait_dma2 semaphore(%arg10 : memref<!tpu.dma_semaphore, #tpu.memory_space<semaphore_mem>>) src(%dma_wait3A_105 : memref<128x256xf32, #tpu.memory_space<hbm>>) dst(%dma_wait3A_103 : memref<128x256xf32, #tpu.memory_space<vmem>>)
    %parallel_loop3A_106 = arith.constant 0 : i32
    %parallel_loop3A_107 = arith.constant 128 : i32
    %parallel_loop3A_108 = arith.constant 1 : i32
    %parallel_loop3A_109 = arith.constant 1 : i32
    %parallel_loop3A_110 = arith.constant 1 : i32
    scf.for %parallel_loop3A_259 = %parallel_loop3A_106 to %parallel_loop3A_107 step %parallel_loop3A_108  : i32 {
      %parallel_loop3A_260 = vector.broadcast %parallel_loop3A_259 : i32 to vector<16xi32>
      %parallel_loop3A_261 = arith.constant 0 : i32
      %parallel_loop3A_262 = arith.constant 0 : i32
      %parallel_loop3A_263 = tpu.memref_slice %arg8[%parallel_loop3A_109, %parallel_loop3A_261, %parallel_loop3A_262] : memref<2x128x256xf32, #tpu.memory_space<vmem>> -> memref<1x128x256xf32, #tpu.memory_space<vmem>>
      %parallel_loop3A_264 = tpu.memref_squeeze %parallel_loop3A_263 : memref<1x128x256xf32, #tpu.memory_space<vmem>> -> memref<128x256xf32, #tpu.memory_space<vmem>>
      %parallel_loop3A_265 = tpu.vector_load_idx %parallel_loop3A_264[%parallel_loop3A_260, %get3A_3] : memref<128x256xf32, #tpu.memory_space<vmem>>[vector<16xi32>, vector<16xi32>], vector<16xf32>,
      %parallel_loop3A_266 = arith.mulf %parallel_loop3A_265, %get3A_11 : vector<16xf32>
      %parallel_loop3A_267 = arith.constant 0 : i32
      %parallel_loop3A_268 = arith.constant 0 : i32
      %parallel_loop3A_269 = tpu.memref_slice %arg9[%parallel_loop3A_110, %parallel_loop3A_267, %parallel_loop3A_268] : memref<2x128x64xf32, #tpu.memory_space<vmem>> -> memref<1x128x64xf32, #tpu.memory_space<vmem>>
      %parallel_loop3A_270 = tpu.memref_squeeze %parallel_loop3A_269 : memref<1x128x64xf32, #tpu.memory_space<vmem>> -> memref<128x64xf32, #tpu.memory_space<vmem>>
      %parallel_loop3A_271 = arith.index_cast %parallel_loop3A_259 : i32 to index
      %parallel_loop3A_272 = arith.constant 0 : index
      %parallel_loop3A_273 = tpu.vector_load %parallel_loop3A_270[%parallel_loop3A_271, %parallel_loop3A_272] {strides = array<i32>} : memref<128x64xf32, #tpu.memory_space<vmem>>, vector<16xf32>,
      tpu.vector_store %parallel_loop3A_270[%parallel_loop3A_271, %parallel_loop3A_272], %parallel_loop3A_266 {strides = array<i32>} : memref<128x64xf32, #tpu.memory_space<vmem>>, vector<16xf32>,
      %parallel_loop3A_274 = arith.constant 0 : i32
      %parallel_loop3A_275 = arith.constant 0 : i32
      %parallel_loop3A_276 = tpu.memref_slice %arg8[%parallel_loop3A_109, %parallel_loop3A_274, %parallel_loop3A_275] : memref<2x128x256xf32, #tpu.memory_space<vmem>> -> memref<1x128x256xf32, #tpu.memory_space<vmem>>
      %parallel_loop3A_277 = tpu.memref_squeeze %parallel_loop3A_276 : memref<1x128x256xf32, #tpu.memory_space<vmem>> -> memref<128x256xf32, #tpu.memory_space<vmem>>
      %parallel_loop3A_278 = tpu.vector_load_idx %parallel_loop3A_277[%parallel_loop3A_260, %get3A_5] : memref<128x256xf32, #tpu.memory_space<vmem>>[vector<16xi32>, vector<16xi32>], vector<16xf32>,
      %parallel_loop3A_279 = arith.mulf %parallel_loop3A_278, %get3A_13 : vector<16xf32>
      %parallel_loop3A_280 = arith.constant 0 : i32
      %parallel_loop3A_281 = arith.constant 0 : i32
      %parallel_loop3A_282 = tpu.memref_slice %arg9[%parallel_loop3A_110, %parallel_loop3A_280, %parallel_loop3A_281] : memref<2x128x64xf32, #tpu.memory_space<vmem>> -> memref<1x128x64xf32, #tpu.memory_space<vmem>>
      %parallel_loop3A_283 = tpu.memref_squeeze %parallel_loop3A_282 : memref<1x128x64xf32, #tpu.memory_space<vmem>> -> memref<128x64xf32, #tpu.memory_space<vmem>>
      %parallel_loop3A_284 = arith.index_cast %parallel_loop3A_259 : i32 to index
      %parallel_loop3A_285 = arith.constant 16 : index
      %parallel_loop3A_286 = tpu.vector_load %parallel_loop3A_283[%parallel_loop3A_284, %parallel_loop3A_285] {strides = array<i32>} : memref<128x64xf32, #tpu.memory_space<vmem>>, vector<16xf32>,
      tpu.vector_store %parallel_loop3A_283[%parallel_loop3A_284, %parallel_loop3A_285], %parallel_loop3A_279 {strides = array<i32>} : memref<128x64xf32, #tpu.memory_space<vmem>>, vector<16xf32>,
      %parallel_loop3A_287 = arith.constant 0 : i32
      %parallel_loop3A_288 = arith.constant 0 : i32
      %parallel_loop3A_289 = tpu.memref_slice %arg8[%parallel_loop3A_109, %parallel_loop3A_287, %parallel_loop3A_288] : memref<2x128x256xf32, #tpu.memory_space<vmem>> -> memref<1x128x256xf32, #tpu.memory_space<vmem>>
      %parallel_loop3A_290 = tpu.memref_squeeze %parallel_loop3A_289 : memref<1x128x256xf32, #tpu.memory_space<vmem>> -> memref<128x256xf32, #tpu.memory_space<vmem>>
      %parallel_loop3A_291 = tpu.vector_load_idx %parallel_loop3A_290[%parallel_loop3A_260, %get3A_7] : memref<128x256xf32, #tpu.memory_space<vmem>>[vector<16xi32>, vector<16xi32>], vector<16xf32>,
      %parallel_loop3A_292 = arith.mulf %parallel_loop3A_291, %get3A_15 : vector<16xf32>
      %parallel_loop3A_293 = arith.constant 0 : i32
      %parallel_loop3A_294 = arith.constant 0 : i32
      %parallel_loop3A_295 = tpu.memref_slice %arg9[%parallel_loop3A_110, %parallel_loop3A_293, %parallel_loop3A_294] : memref<2x128x64xf32, #tpu.memory_space<vmem>> -> memref<1x128x64xf32, #tpu.memory_space<vmem>>
      %parallel_loop3A_296 = tpu.memref_squeeze %parallel_loop3A_295 : memref<1x128x64xf32, #tpu.memory_space<vmem>> -> memref<128x64xf32, #tpu.memory_space<vmem>>
      %parallel_loop3A_297 = arith.index_cast %parallel_loop3A_259 : i32 to index
      %parallel_loop3A_298 = arith.constant 32 : index
      %parallel_loop3A_299 = tpu.vector_load %parallel_loop3A_296[%parallel_loop3A_297, %parallel_loop3A_298] {strides = array<i32>} : memref<128x64xf32, #tpu.memory_space<vmem>>, vector<16xf32>,
      tpu.vector_store %parallel_loop3A_296[%parallel_loop3A_297, %parallel_loop3A_298], %parallel_loop3A_292 {strides = array<i32>} : memref<128x64xf32, #tpu.memory_space<vmem>>, vector<16xf32>,
      %parallel_loop3A_300 = arith.constant 0 : i32
      %parallel_loop3A_301 = arith.constant 0 : i32
      %parallel_loop3A_302 = tpu.memref_slice %arg8[%parallel_loop3A_109, %parallel_loop3A_300, %parallel_loop3A_301] : memref<2x128x256xf32, #tpu.memory_space<vmem>> -> memref<1x128x256xf32, #tpu.memory_space<vmem>>
      %parallel_loop3A_303 = tpu.memref_squeeze %parallel_loop3A_302 : memref<1x128x256xf32, #tpu.memory_space<vmem>> -> memref<128x256xf32, #tpu.memory_space<vmem>>
      %parallel_loop3A_304 = tpu.vector_load_idx %parallel_loop3A_303[%parallel_loop3A_260, %get3A_9] : memref<128x256xf32, #tpu.memory_space<vmem>>[vector<16xi32>, vector<16xi32>], vector<16xf32>,
      %parallel_loop3A_305 = arith.mulf %parallel_loop3A_304, %get3A_17 : vector<16xf32>
      %parallel_loop3A_306 = arith.constant 0 : i32
      %parallel_loop3A_307 = arith.constant 0 : i32
      %parallel_loop3A_308 = tpu.memref_slice %arg9[%parallel_loop3A_110, %parallel_loop3A_306, %parallel_loop3A_307] : memref<2x128x64xf32, #tpu.memory_space<vmem>> -> memref<1x128x64xf32, #tpu.memory_space<vmem>>
      %parallel_loop3A_309 = tpu.memref_squeeze %parallel_loop3A_308 : memref<1x128x64xf32, #tpu.memory_space<vmem>> -> memref<128x64xf32, #tpu.memory_space<vmem>>
      %parallel_loop3A_310 = arith.index_cast %parallel_loop3A_259 : i32 to index
      %parallel_loop3A_311 = arith.constant 48 : index
      %parallel_loop3A_312 = tpu.vector_load %parallel_loop3A_309[%parallel_loop3A_310, %parallel_loop3A_311] {strides = array<i32>} : memref<128x64xf32, #tpu.memory_space<vmem>>, vector<16xf32>,
      tpu.vector_store %parallel_loop3A_309[%parallel_loop3A_310, %parallel_loop3A_311], %parallel_loop3A_305 {strides = array<i32>} : memref<128x64xf32, #tpu.memory_space<vmem>>, vector<16xf32>,
    } {sc.loop_unroll_factor = 4 : i64, sc.parallel_access}
    %add3A_111 = arith.constant 128 : i32
    %add3A_112 = arith.addi %mul3A_2, %add3A_111 : i32
    %dma_start3A_113 = arith.constant 1 : i32
    %dma_start3A_114 = arith.constant 0 : i32
    %dma_start3A_115 = arith.constant 0 : i32
    %dma_start3A_116 = tpu.memref_slice %arg9[%dma_start3A_113, %dma_start3A_114, %dma_start3A_115] : memref<2x128x64xf32, #tpu.memory_space<vmem>> -> memref<1x128x64xf32, #tpu.memory_space<vmem>>
    %dma_start3A_117 = tpu.memref_squeeze %dma_start3A_116 : memref<1x128x64xf32, #tpu.memory_space<vmem>> -> memref<128x64xf32, #tpu.memory_space<vmem>>
    %dma_start3A_118 = arith.constant 0 : i32
    %dma_start3A_119 = tpu.memref_slice %arg5[%add3A_112, %dma_start3A_118] : memref<16384x64xf32, #tpu.memory_space<hbm>> -> memref<128x64xf32, #tpu.memory_space<hbm>>
    %dma_start3A_120 = arith.constant 0 : i32
    %dma_start3A_121 = tpu.memref_slice %arg5[%add3A_112, %dma_start3A_120] : memref<16384x64xf32, #tpu.memory_space<hbm>> -> memref<128x64xf32, #tpu.memory_space<hbm>>
    %dma_start3A_122 = arith.constant 0 : i32
    %dma_start3A_123 = arith.constant 0 : i32
    %dma_start3A_124 = tpu.memref_slice %arg9[%dma_start3A_113, %dma_start3A_122, %dma_start3A_123] : memref<2x128x64xf32, #tpu.memory_space<vmem>> -> memref<1x128x64xf32, #tpu.memory_space<vmem>>
    %dma_start3A_125 = tpu.memref_squeeze %dma_start3A_124 : memref<1x128x64xf32, #tpu.memory_space<vmem>> -> memref<128x64xf32, #tpu.memory_space<vmem>>
    tpu.enqueue_dma source(%dma_start3A_125 : memref<128x64xf32, #tpu.memory_space<vmem>>) target(%dma_start3A_121 : memref<128x64xf32, #tpu.memory_space<hbm>>) target_semaphore(%arg11 : memref<!tpu.dma_semaphore, #tpu.memory_space<semaphore_mem>>)
    %add3A_126 = arith.constant 384 : i32
    %add3A_127 = arith.addi %mul3A_2, %add3A_126 : i32
    %dma_start3A_128 = arith.constant 1 : i32
    %dma_start3A_129 = arith.constant 0 : i32
    %dma_start3A_130 = arith.constant 0 : i32
    %dma_start3A_131 = tpu.memref_slice %arg8[%dma_start3A_128, %dma_start3A_129, %dma_start3A_130] : memref<2x128x256xf32, #tpu.memory_space<vmem>> -> memref<1x128x256xf32, #tpu.memory_space<vmem>>
    %dma_start3A_132 = tpu.memref_squeeze %dma_start3A_131 : memref<1x128x256xf32, #tpu.memory_space<vmem>> -> memref<128x256xf32, #tpu.memory_space<vmem>>
    %dma_start3A_133 = arith.constant 0 : i32
    %dma_start3A_134 = tpu.memref_slice %arg2[%add3A_127, %dma_start3A_133] : memref<16384x256xf32, #tpu.memory_space<hbm>> -> memref<128x256xf32, #tpu.memory_space<hbm>>
    %dma_start3A_135 = arith.constant 0 : i32
    %dma_start3A_136 = arith.constant 0 : i32
    %dma_start3A_137 = tpu.memref_slice %arg8[%dma_start3A_128, %dma_start3A_135, %dma_start3A_136] : memref<2x128x256xf32, #tpu.memory_space<vmem>> -> memref<1x128x256xf32, #tpu.memory_space<vmem>>
    %dma_start3A_138 = tpu.memref_squeeze %dma_start3A_137 : memref<1x128x256xf32, #tpu.memory_space<vmem>> -> memref<128x256xf32, #tpu.memory_space<vmem>>
    %dma_start3A_139 = arith.constant 0 : i32
    %dma_start3A_140 = tpu.memref_slice %arg2[%add3A_127, %dma_start3A_139] : memref<16384x256xf32, #tpu.memory_space<hbm>> -> memref<128x256xf32, #tpu.memory_space<hbm>>
    tpu.enqueue_dma source(%dma_start3A_140 : memref<128x256xf32, #tpu.memory_space<hbm>>) target(%dma_start3A_138 : memref<128x256xf32, #tpu.memory_space<vmem>>) target_semaphore(%arg10 : memref<!tpu.dma_semaphore, #tpu.memory_space<semaphore_mem>>)
    %dma_wait3A_141 = arith.constant 0 : i32
    %dma_wait3A_142 = arith.constant 0 : i32
    %dma_wait3A_143 = arith.constant 0 : i32
    %dma_wait3A_144 = tpu.memref_slice %arg8[%dma_wait3A_141, %dma_wait3A_142, %dma_wait3A_143] : memref<2x128x256xf32, #tpu.memory_space<vmem>> -> memref<1x128x256xf32, #tpu.memory_space<vmem>>
    %dma_wait3A_145 = tpu.memref_squeeze %dma_wait3A_144 : memref<1x128x256xf32, #tpu.memory_space<vmem>> -> memref<128x256xf32, #tpu.memory_space<vmem>>
    %dma_wait3A_146 = arith.constant 0 : i32
    %dma_wait3A_147 = tpu.memref_slice %arg2[%mul3A_2, %dma_wait3A_146] : memref<16384x256xf32, #tpu.memory_space<hbm>> -> memref<128x256xf32, #tpu.memory_space<hbm>>
    %dma_wait3A_148 = arith.constant 0 : i32
    %dma_wait3A_149 = arith.constant 0 : i32
    %dma_wait3A_150 = tpu.memref_slice %arg8[%dma_wait3A_141, %dma_wait3A_148, %dma_wait3A_149] : memref<2x128x256xf32, #tpu.memory_space<vmem>> -> memref<1x128x256xf32, #tpu.memory_space<vmem>>
    %dma_wait3A_151 = tpu.memref_squeeze %dma_wait3A_150 : memref<1x128x256xf32, #tpu.memory_space<vmem>> -> memref<128x256xf32, #tpu.memory_space<vmem>>
    %dma_wait3A_152 = arith.constant 0 : i32
    %dma_wait3A_153 = tpu.memref_slice %arg2[%mul3A_2, %dma_wait3A_152] : memref<16384x256xf32, #tpu.memory_space<hbm>> -> memref<128x256xf32, #tpu.memory_space<hbm>>
    tpu.wait_dma2 semaphore(%arg10 : memref<!tpu.dma_semaphore, #tpu.memory_space<semaphore_mem>>) src(%dma_wait3A_153 : memref<128x256xf32, #tpu.memory_space<hbm>>) dst(%dma_wait3A_151 : memref<128x256xf32, #tpu.memory_space<vmem>>)
    %dma_wait3A_154 = arith.constant 0 : i32
    %dma_wait3A_155 = arith.constant 0 : i32
    %dma_wait3A_156 = arith.constant 0 : i32
    %dma_wait3A_157 = tpu.memref_slice %arg9[%dma_wait3A_154, %dma_wait3A_155, %dma_wait3A_156] : memref<2x128x64xf32, #tpu.memory_space<vmem>> -> memref<1x128x64xf32, #tpu.memory_space<vmem>>
    %dma_wait3A_158 = tpu.memref_squeeze %dma_wait3A_157 : memref<1x128x64xf32, #tpu.memory_space<vmem>> -> memref<128x64xf32, #tpu.memory_space<vmem>>
    %dma_wait3A_159 = arith.constant 0 : i32
    %dma_wait3A_160 = tpu.memref_slice %arg5[%mul3A_2, %dma_wait3A_159] : memref<16384x64xf32, #tpu.memory_space<hbm>> -> memref<128x64xf32, #tpu.memory_space<hbm>>
    %dma_wait3A_161 = arith.constant 0 : i32
    %dma_wait3A_162 = tpu.memref_slice %arg5[%mul3A_2, %dma_wait3A_161] : memref<16384x64xf32, #tpu.memory_space<hbm>> -> memref<128x64xf32, #tpu.memory_space<hbm>>
    %dma_wait3A_163 = arith.constant 0 : i32
    %dma_wait3A_164 = arith.constant 0 : i32
    %dma_wait3A_165 = tpu.memref_slice %arg9[%dma_wait3A_154, %dma_wait3A_163, %dma_wait3A_164] : memref<2x128x64xf32, #tpu.memory_space<vmem>> -> memref<1x128x64xf32, #tpu.memory_space<vmem>>
    %dma_wait3A_166 = tpu.memref_squeeze %dma_wait3A_165 : memref<1x128x64xf32, #tpu.memory_space<vmem>> -> memref<128x64xf32, #tpu.memory_space<vmem>>
    tpu.wait_dma2 semaphore(%arg11 : memref<!tpu.dma_semaphore, #tpu.memory_space<semaphore_mem>>) src(%dma_wait3A_166 : memref<128x64xf32, #tpu.memory_space<vmem>>) dst(%dma_wait3A_162 : memref<128x64xf32, #tpu.memory_space<hbm>>)
    %parallel_loop3A_167 = arith.constant 0 : i32
    %parallel_loop3A_168 = arith.constant 128 : i32
    %parallel_loop3A_169 = arith.constant 1 : i32
    %parallel_loop3A_170 = arith.constant 0 : i32
    %parallel_loop3A_171 = arith.constant 0 : i32
    scf.for %parallel_loop3A_259 = %parallel_loop3A_167 to %parallel_loop3A_168 step %parallel_loop3A_169  : i32 {
      %parallel_loop3A_260 = vector.broadcast %parallel_loop3A_259 : i32 to vector<16xi32>
      %parallel_loop3A_261 = arith.constant 0 : i32
      %parallel_loop3A_262 = arith.constant 0 : i32
      %parallel_loop3A_263 = tpu.memref_slice %arg8[%parallel_loop3A_170, %parallel_loop3A_261, %parallel_loop3A_262] : memref<2x128x256xf32, #tpu.memory_space<vmem>> -> memref<1x128x256xf32, #tpu.memory_space<vmem>>
      %parallel_loop3A_264 = tpu.memref_squeeze %parallel_loop3A_263 : memref<1x128x256xf32, #tpu.memory_space<vmem>> -> memref<128x256xf32, #tpu.memory_space<vmem>>
      %parallel_loop3A_265 = tpu.vector_load_idx %parallel_loop3A_264[%parallel_loop3A_260, %get3A_3] : memref<128x256xf32, #tpu.memory_space<vmem>>[vector<16xi32>, vector<16xi32>], vector<16xf32>,
      %parallel_loop3A_266 = arith.mulf %parallel_loop3A_265, %get3A_11 : vector<16xf32>
      %parallel_loop3A_267 = arith.constant 0 : i32
      %parallel_loop3A_268 = arith.constant 0 : i32
      %parallel_loop3A_269 = tpu.memref_slice %arg9[%parallel_loop3A_171, %parallel_loop3A_267, %parallel_loop3A_268] : memref<2x128x64xf32, #tpu.memory_space<vmem>> -> memref<1x128x64xf32, #tpu.memory_space<vmem>>
      %parallel_loop3A_270 = tpu.memref_squeeze %parallel_loop3A_269 : memref<1x128x64xf32, #tpu.memory_space<vmem>> -> memref<128x64xf32, #tpu.memory_space<vmem>>
      %parallel_loop3A_271 = arith.index_cast %parallel_loop3A_259 : i32 to index
      %parallel_loop3A_272 = arith.constant 0 : index
      %parallel_loop3A_273 = tpu.vector_load %parallel_loop3A_270[%parallel_loop3A_271, %parallel_loop3A_272] {strides = array<i32>} : memref<128x64xf32, #tpu.memory_space<vmem>>, vector<16xf32>,
      tpu.vector_store %parallel_loop3A_270[%parallel_loop3A_271, %parallel_loop3A_272], %parallel_loop3A_266 {strides = array<i32>} : memref<128x64xf32, #tpu.memory_space<vmem>>, vector<16xf32>,
      %parallel_loop3A_274 = arith.constant 0 : i32
      %parallel_loop3A_275 = arith.constant 0 : i32
      %parallel_loop3A_276 = tpu.memref_slice %arg8[%parallel_loop3A_170, %parallel_loop3A_274, %parallel_loop3A_275] : memref<2x128x256xf32, #tpu.memory_space<vmem>> -> memref<1x128x256xf32, #tpu.memory_space<vmem>>
      %parallel_loop3A_277 = tpu.memref_squeeze %parallel_loop3A_276 : memref<1x128x256xf32, #tpu.memory_space<vmem>> -> memref<128x256xf32, #tpu.memory_space<vmem>>
      %parallel_loop3A_278 = tpu.vector_load_idx %parallel_loop3A_277[%parallel_loop3A_260, %get3A_5] : memref<128x256xf32, #tpu.memory_space<vmem>>[vector<16xi32>, vector<16xi32>], vector<16xf32>,
      %parallel_loop3A_279 = arith.mulf %parallel_loop3A_278, %get3A_13 : vector<16xf32>
      %parallel_loop3A_280 = arith.constant 0 : i32
      %parallel_loop3A_281 = arith.constant 0 : i32
      %parallel_loop3A_282 = tpu.memref_slice %arg9[%parallel_loop3A_171, %parallel_loop3A_280, %parallel_loop3A_281] : memref<2x128x64xf32, #tpu.memory_space<vmem>> -> memref<1x128x64xf32, #tpu.memory_space<vmem>>
      %parallel_loop3A_283 = tpu.memref_squeeze %parallel_loop3A_282 : memref<1x128x64xf32, #tpu.memory_space<vmem>> -> memref<128x64xf32, #tpu.memory_space<vmem>>
      %parallel_loop3A_284 = arith.index_cast %parallel_loop3A_259 : i32 to index
      %parallel_loop3A_285 = arith.constant 16 : index
      %parallel_loop3A_286 = tpu.vector_load %parallel_loop3A_283[%parallel_loop3A_284, %parallel_loop3A_285] {strides = array<i32>} : memref<128x64xf32, #tpu.memory_space<vmem>>, vector<16xf32>,
      tpu.vector_store %parallel_loop3A_283[%parallel_loop3A_284, %parallel_loop3A_285], %parallel_loop3A_279 {strides = array<i32>} : memref<128x64xf32, #tpu.memory_space<vmem>>, vector<16xf32>,
      %parallel_loop3A_287 = arith.constant 0 : i32
      %parallel_loop3A_288 = arith.constant 0 : i32
      %parallel_loop3A_289 = tpu.memref_slice %arg8[%parallel_loop3A_170, %parallel_loop3A_287, %parallel_loop3A_288] : memref<2x128x256xf32, #tpu.memory_space<vmem>> -> memref<1x128x256xf32, #tpu.memory_space<vmem>>
      %parallel_loop3A_290 = tpu.memref_squeeze %parallel_loop3A_289 : memref<1x128x256xf32, #tpu.memory_space<vmem>> -> memref<128x256xf32, #tpu.memory_space<vmem>>
      %parallel_loop3A_291 = tpu.vector_load_idx %parallel_loop3A_290[%parallel_loop3A_260, %get3A_7] : memref<128x256xf32, #tpu.memory_space<vmem>>[vector<16xi32>, vector<16xi32>], vector<16xf32>,
      %parallel_loop3A_292 = arith.mulf %parallel_loop3A_291, %get3A_15 : vector<16xf32>
      %parallel_loop3A_293 = arith.constant 0 : i32
      %parallel_loop3A_294 = arith.constant 0 : i32
      %parallel_loop3A_295 = tpu.memref_slice %arg9[%parallel_loop3A_171, %parallel_loop3A_293, %parallel_loop3A_294] : memref<2x128x64xf32, #tpu.memory_space<vmem>> -> memref<1x128x64xf32, #tpu.memory_space<vmem>>
      %parallel_loop3A_296 = tpu.memref_squeeze %parallel_loop3A_295 : memref<1x128x64xf32, #tpu.memory_space<vmem>> -> memref<128x64xf32, #tpu.memory_space<vmem>>
      %parallel_loop3A_297 = arith.index_cast %parallel_loop3A_259 : i32 to index
      %parallel_loop3A_298 = arith.constant 32 : index
      %parallel_loop3A_299 = tpu.vector_load %parallel_loop3A_296[%parallel_loop3A_297, %parallel_loop3A_298] {strides = array<i32>} : memref<128x64xf32, #tpu.memory_space<vmem>>, vector<16xf32>,
      tpu.vector_store %parallel_loop3A_296[%parallel_loop3A_297, %parallel_loop3A_298], %parallel_loop3A_292 {strides = array<i32>} : memref<128x64xf32, #tpu.memory_space<vmem>>, vector<16xf32>,
      %parallel_loop3A_300 = arith.constant 0 : i32
      %parallel_loop3A_301 = arith.constant 0 : i32
      %parallel_loop3A_302 = tpu.memref_slice %arg8[%parallel_loop3A_170, %parallel_loop3A_300, %parallel_loop3A_301] : memref<2x128x256xf32, #tpu.memory_space<vmem>> -> memref<1x128x256xf32, #tpu.memory_space<vmem>>
      %parallel_loop3A_303 = tpu.memref_squeeze %parallel_loop3A_302 : memref<1x128x256xf32, #tpu.memory_space<vmem>> -> memref<128x256xf32, #tpu.memory_space<vmem>>
      %parallel_loop3A_304 = tpu.vector_load_idx %parallel_loop3A_303[%parallel_loop3A_260, %get3A_9] : memref<128x256xf32, #tpu.memory_space<vmem>>[vector<16xi32>, vector<16xi32>], vector<16xf32>,
      %parallel_loop3A_305 = arith.mulf %parallel_loop3A_304, %get3A_17 : vector<16xf32>
      %parallel_loop3A_306 = arith.constant 0 : i32
      %parallel_loop3A_307 = arith.constant 0 : i32
      %parallel_loop3A_308 = tpu.memref_slice %arg9[%parallel_loop3A_171, %parallel_loop3A_306, %parallel_loop3A_307] : memref<2x128x64xf32, #tpu.memory_space<vmem>> -> memref<1x128x64xf32, #tpu.memory_space<vmem>>
      %parallel_loop3A_309 = tpu.memref_squeeze %parallel_loop3A_308 : memref<1x128x64xf32, #tpu.memory_space<vmem>> -> memref<128x64xf32, #tpu.memory_space<vmem>>
      %parallel_loop3A_310 = arith.index_cast %parallel_loop3A_259 : i32 to index
      %parallel_loop3A_311 = arith.constant 48 : index
      %parallel_loop3A_312 = tpu.vector_load %parallel_loop3A_309[%parallel_loop3A_310, %parallel_loop3A_311] {strides = array<i32>} : memref<128x64xf32, #tpu.memory_space<vmem>>, vector<16xf32>,
      tpu.vector_store %parallel_loop3A_309[%parallel_loop3A_310, %parallel_loop3A_311], %parallel_loop3A_305 {strides = array<i32>} : memref<128x64xf32, #tpu.memory_space<vmem>>, vector<16xf32>,
    } {sc.loop_unroll_factor = 4 : i64, sc.parallel_access}
    %add3A_172 = arith.constant 256 : i32
    %add3A_173 = arith.addi %mul3A_2, %add3A_172 : i32
    %dma_start3A_174 = arith.constant 0 : i32
    %dma_start3A_175 = arith.constant 0 : i32
    %dma_start3A_176 = arith.constant 0 : i32
    %dma_start3A_177 = tpu.memref_slice %arg9[%dma_start3A_174, %dma_start3A_175, %dma_start3A_176] : memref<2x128x64xf32, #tpu.memory_space<vmem>> -> memref<1x128x64xf32, #tpu.memory_space<vmem>>
    %dma_start3A_178 = tpu.memref_squeeze %dma_start3A_177 : memref<1x128x64xf32, #tpu.memory_space<vmem>> -> memref<128x64xf32, #tpu.memory_space<vmem>>
    %dma_start3A_179 = arith.constant 0 : i32
    %dma_start3A_180 = tpu.memref_slice %arg5[%add3A_173, %dma_start3A_179] : memref<16384x64xf32, #tpu.memory_space<hbm>> -> memref<128x64xf32, #tpu.memory_space<hbm>>
    %dma_start3A_181 = arith.constant 0 : i32
    %dma_start3A_182 = tpu.memref_slice %arg5[%add3A_173, %dma_start3A_181] : memref<16384x64xf32, #tpu.memory_space<hbm>> -> memref<128x64xf32, #tpu.memory_space<hbm>>
    %dma_start3A_183 = arith.constant 0 : i32
    %dma_start3A_184 = arith.constant 0 : i32
    %dma_start3A_185 = tpu.memref_slice %arg9[%dma_start3A_174, %dma_start3A_183, %dma_start3A_184] : memref<2x128x64xf32, #tpu.memory_space<vmem>> -> memref<1x128x64xf32, #tpu.memory_space<vmem>>
    %dma_start3A_186 = tpu.memref_squeeze %dma_start3A_185 : memref<1x128x64xf32, #tpu.memory_space<vmem>> -> memref<128x64xf32, #tpu.memory_space<vmem>>
    tpu.enqueue_dma source(%dma_start3A_186 : memref<128x64xf32, #tpu.memory_space<vmem>>) target(%dma_start3A_182 : memref<128x64xf32, #tpu.memory_space<hbm>>) target_semaphore(%arg11 : memref<!tpu.dma_semaphore, #tpu.memory_space<semaphore_mem>>)
    %dma_wait3A_187 = arith.constant 1 : i32
    %dma_wait3A_188 = arith.constant 0 : i32
    %dma_wait3A_189 = arith.constant 0 : i32
    %dma_wait3A_190 = tpu.memref_slice %arg8[%dma_wait3A_187, %dma_wait3A_188, %dma_wait3A_189] : memref<2x128x256xf32, #tpu.memory_space<vmem>> -> memref<1x128x256xf32, #tpu.memory_space<vmem>>
    %dma_wait3A_191 = tpu.memref_squeeze %dma_wait3A_190 : memref<1x128x256xf32, #tpu.memory_space<vmem>> -> memref<128x256xf32, #tpu.memory_space<vmem>>
    %dma_wait3A_192 = arith.constant 0 : i32
    %dma_wait3A_193 = tpu.memref_slice %arg2[%mul3A_2, %dma_wait3A_192] : memref<16384x256xf32, #tpu.memory_space<hbm>> -> memref<128x256xf32, #tpu.memory_space<hbm>>
    %dma_wait3A_194 = arith.constant 0 : i32
    %dma_wait3A_195 = arith.constant 0 : i32
    %dma_wait3A_196 = tpu.memref_slice %arg8[%dma_wait3A_187, %dma_wait3A_194, %dma_wait3A_195] : memref<2x128x256xf32, #tpu.memory_space<vmem>> -> memref<1x128x256xf32, #tpu.memory_space<vmem>>
    %dma_wait3A_197 = tpu.memref_squeeze %dma_wait3A_196 : memref<1x128x256xf32, #tpu.memory_space<vmem>> -> memref<128x256xf32, #tpu.memory_space<vmem>>
    %dma_wait3A_198 = arith.constant 0 : i32
    %dma_wait3A_199 = tpu.memref_slice %arg2[%mul3A_2, %dma_wait3A_198] : memref<16384x256xf32, #tpu.memory_space<hbm>> -> memref<128x256xf32, #tpu.memory_space<hbm>>
    tpu.wait_dma2 semaphore(%arg10 : memref<!tpu.dma_semaphore, #tpu.memory_space<semaphore_mem>>) src(%dma_wait3A_199 : memref<128x256xf32, #tpu.memory_space<hbm>>) dst(%dma_wait3A_197 : memref<128x256xf32, #tpu.memory_space<vmem>>)
    %dma_wait3A_200 = arith.constant 1 : i32
    %dma_wait3A_201 = arith.constant 0 : i32
    %dma_wait3A_202 = arith.constant 0 : i32
    %dma_wait3A_203 = tpu.memref_slice %arg9[%dma_wait3A_200, %dma_wait3A_201, %dma_wait3A_202] : memref<2x128x64xf32, #tpu.memory_space<vmem>> -> memref<1x128x64xf32, #tpu.memory_space<vmem>>
    %dma_wait3A_204 = tpu.memref_squeeze %dma_wait3A_203 : memref<1x128x64xf32, #tpu.memory_space<vmem>> -> memref<128x64xf32, #tpu.memory_space<vmem>>
    %dma_wait3A_205 = arith.constant 0 : i32
    %dma_wait3A_206 = tpu.memref_slice %arg5[%mul3A_2, %dma_wait3A_205] : memref<16384x64xf32, #tpu.memory_space<hbm>> -> memref<128x64xf32, #tpu.memory_space<hbm>>
    %dma_wait3A_207 = arith.constant 0 : i32
    %dma_wait3A_208 = tpu.memref_slice %arg5[%mul3A_2, %dma_wait3A_207] : memref<16384x64xf32, #tpu.memory_space<hbm>> -> memref<128x64xf32, #tpu.memory_space<hbm>>
    %dma_wait3A_209 = arith.constant 0 : i32
    %dma_wait3A_210 = arith.constant 0 : i32
    %dma_wait3A_211 = tpu.memref_slice %arg9[%dma_wait3A_200, %dma_wait3A_209, %dma_wait3A_210] : memref<2x128x64xf32, #tpu.memory_space<vmem>> -> memref<1x128x64xf32, #tpu.memory_space<vmem>>
    %dma_wait3A_212 = tpu.memref_squeeze %dma_wait3A_211 : memref<1x128x64xf32, #tpu.memory_space<vmem>> -> memref<128x64xf32, #tpu.memory_space<vmem>>
    tpu.wait_dma2 semaphore(%arg11 : memref<!tpu.dma_semaphore, #tpu.memory_space<semaphore_mem>>) src(%dma_wait3A_212 : memref<128x64xf32, #tpu.memory_space<vmem>>) dst(%dma_wait3A_208 : memref<128x64xf32, #tpu.memory_space<hbm>>)
    %parallel_loop3A_213 = arith.constant 0 : i32
    %parallel_loop3A_214 = arith.constant 128 : i32
    %parallel_loop3A_215 = arith.constant 1 : i32
    %parallel_loop3A_216 = arith.constant 1 : i32
    %parallel_loop3A_217 = arith.constant 1 : i32
    scf.for %parallel_loop3A_259 = %parallel_loop3A_213 to %parallel_loop3A_214 step %parallel_loop3A_215  : i32 {
      %parallel_loop3A_260 = vector.broadcast %parallel_loop3A_259 : i32 to vector<16xi32>
      %parallel_loop3A_261 = arith.constant 0 : i32
      %parallel_loop3A_262 = arith.constant 0 : i32
      %parallel_loop3A_263 = tpu.memref_slice %arg8[%parallel_loop3A_216, %parallel_loop3A_261, %parallel_loop3A_262] : memref<2x128x256xf32, #tpu.memory_space<vmem>> -> memref<1x128x256xf32, #tpu.memory_space<vmem>>
      %parallel_loop3A_264 = tpu.memref_squeeze %parallel_loop3A_263 : memref<1x128x256xf32, #tpu.memory_space<vmem>> -> memref<128x256xf32, #tpu.memory_space<vmem>>
      %parallel_loop3A_265 = tpu.vector_load_idx %parallel_loop3A_264[%parallel_loop3A_260, %get3A_3] : memref<128x256xf32, #tpu.memory_space<vmem>>[vector<16xi32>, vector<16xi32>], vector<16xf32>,
      %parallel_loop3A_266 = arith.mulf %parallel_loop3A_265, %get3A_11 : vector<16xf32>
      %parallel_loop3A_267 = arith.constant 0 : i32
      %parallel_loop3A_268 = arith.constant 0 : i32
      %parallel_loop3A_269 = tpu.memref_slice %arg9[%parallel_loop3A_217, %parallel_loop3A_267, %parallel_loop3A_268] : memref<2x128x64xf32, #tpu.memory_space<vmem>> -> memref<1x128x64xf32, #tpu.memory_space<vmem>>
      %parallel_loop3A_270 = tpu.memref_squeeze %parallel_loop3A_269 : memref<1x128x64xf32, #tpu.memory_space<vmem>> -> memref<128x64xf32, #tpu.memory_space<vmem>>
      %parallel_loop3A_271 = arith.index_cast %parallel_loop3A_259 : i32 to index
      %parallel_loop3A_272 = arith.constant 0 : index
      %parallel_loop3A_273 = tpu.vector_load %parallel_loop3A_270[%parallel_loop3A_271, %parallel_loop3A_272] {strides = array<i32>} : memref<128x64xf32, #tpu.memory_space<vmem>>, vector<16xf32>,
      tpu.vector_store %parallel_loop3A_270[%parallel_loop3A_271, %parallel_loop3A_272], %parallel_loop3A_266 {strides = array<i32>} : memref<128x64xf32, #tpu.memory_space<vmem>>, vector<16xf32>,
      %parallel_loop3A_274 = arith.constant 0 : i32
      %parallel_loop3A_275 = arith.constant 0 : i32
      %parallel_loop3A_276 = tpu.memref_slice %arg8[%parallel_loop3A_216, %parallel_loop3A_274, %parallel_loop3A_275] : memref<2x128x256xf32, #tpu.memory_space<vmem>> -> memref<1x128x256xf32, #tpu.memory_space<vmem>>
      %parallel_loop3A_277 = tpu.memref_squeeze %parallel_loop3A_276 : memref<1x128x256xf32, #tpu.memory_space<vmem>> -> memref<128x256xf32, #tpu.memory_space<vmem>>
      %parallel_loop3A_278 = tpu.vector_load_idx %parallel_loop3A_277[%parallel_loop3A_260, %get3A_5] : memref<128x256xf32, #tpu.memory_space<vmem>>[vector<16xi32>, vector<16xi32>], vector<16xf32>,
      %parallel_loop3A_279 = arith.mulf %parallel_loop3A_278, %get3A_13 : vector<16xf32>
      %parallel_loop3A_280 = arith.constant 0 : i32
      %parallel_loop3A_281 = arith.constant 0 : i32
      %parallel_loop3A_282 = tpu.memref_slice %arg9[%parallel_loop3A_217, %parallel_loop3A_280, %parallel_loop3A_281] : memref<2x128x64xf32, #tpu.memory_space<vmem>> -> memref<1x128x64xf32, #tpu.memory_space<vmem>>
      %parallel_loop3A_283 = tpu.memref_squeeze %parallel_loop3A_282 : memref<1x128x64xf32, #tpu.memory_space<vmem>> -> memref<128x64xf32, #tpu.memory_space<vmem>>
      %parallel_loop3A_284 = arith.index_cast %parallel_loop3A_259 : i32 to index
      %parallel_loop3A_285 = arith.constant 16 : index
      %parallel_loop3A_286 = tpu.vector_load %parallel_loop3A_283[%parallel_loop3A_284, %parallel_loop3A_285] {strides = array<i32>} : memref<128x64xf32, #tpu.memory_space<vmem>>, vector<16xf32>,
      tpu.vector_store %parallel_loop3A_283[%parallel_loop3A_284, %parallel_loop3A_285], %parallel_loop3A_279 {strides = array<i32>} : memref<128x64xf32, #tpu.memory_space<vmem>>, vector<16xf32>,
      %parallel_loop3A_287 = arith.constant 0 : i32
      %parallel_loop3A_288 = arith.constant 0 : i32
      %parallel_loop3A_289 = tpu.memref_slice %arg8[%parallel_loop3A_216, %parallel_loop3A_287, %parallel_loop3A_288] : memref<2x128x256xf32, #tpu.memory_space<vmem>> -> memref<1x128x256xf32, #tpu.memory_space<vmem>>
      %parallel_loop3A_290 = tpu.memref_squeeze %parallel_loop3A_289 : memref<1x128x256xf32, #tpu.memory_space<vmem>> -> memref<128x256xf32, #tpu.memory_space<vmem>>
      %parallel_loop3A_291 = tpu.vector_load_idx %parallel_loop3A_290[%parallel_loop3A_260, %get3A_7] : memref<128x256xf32, #tpu.memory_space<vmem>>[vector<16xi32>, vector<16xi32>], vector<16xf32>,
      %parallel_loop3A_292 = arith.mulf %parallel_loop3A_291, %get3A_15 : vector<16xf32>
      %parallel_loop3A_293 = arith.constant 0 : i32
      %parallel_loop3A_294 = arith.constant 0 : i32
      %parallel_loop3A_295 = tpu.memref_slice %arg9[%parallel_loop3A_217, %parallel_loop3A_293, %parallel_loop3A_294] : memref<2x128x64xf32, #tpu.memory_space<vmem>> -> memref<1x128x64xf32, #tpu.memory_space<vmem>>
      %parallel_loop3A_296 = tpu.memref_squeeze %parallel_loop3A_295 : memref<1x128x64xf32, #tpu.memory_space<vmem>> -> memref<128x64xf32, #tpu.memory_space<vmem>>
      %parallel_loop3A_297 = arith.index_cast %parallel_loop3A_259 : i32 to index
      %parallel_loop3A_298 = arith.constant 32 : index
      %parallel_loop3A_299 = tpu.vector_load %parallel_loop3A_296[%parallel_loop3A_297, %parallel_loop3A_298] {strides = array<i32>} : memref<128x64xf32, #tpu.memory_space<vmem>>, vector<16xf32>,
      tpu.vector_store %parallel_loop3A_296[%parallel_loop3A_297, %parallel_loop3A_298], %parallel_loop3A_292 {strides = array<i32>} : memref<128x64xf32, #tpu.memory_space<vmem>>, vector<16xf32>,
      %parallel_loop3A_300 = arith.constant 0 : i32
      %parallel_loop3A_301 = arith.constant 0 : i32
      %parallel_loop3A_302 = tpu.memref_slice %arg8[%parallel_loop3A_216, %parallel_loop3A_300, %parallel_loop3A_301] : memref<2x128x256xf32, #tpu.memory_space<vmem>> -> memref<1x128x256xf32, #tpu.memory_space<vmem>>
      %parallel_loop3A_303 = tpu.memref_squeeze %parallel_loop3A_302 : memref<1x128x256xf32, #tpu.memory_space<vmem>> -> memref<128x256xf32, #tpu.memory_space<vmem>>
      %parallel_loop3A_304 = tpu.vector_load_idx %parallel_loop3A_303[%parallel_loop3A_260, %get3A_9] : memref<128x256xf32, #tpu.memory_space<vmem>>[vector<16xi32>, vector<16xi32>], vector<16xf32>,
      %parallel_loop3A_305 = arith.mulf %parallel_loop3A_304, %get3A_17 : vector<16xf32>
      %parallel_loop3A_306 = arith.constant 0 : i32
      %parallel_loop3A_307 = arith.constant 0 : i32
      %parallel_loop3A_308 = tpu.memref_slice %arg9[%parallel_loop3A_217, %parallel_loop3A_306, %parallel_loop3A_307] : memref<2x128x64xf32, #tpu.memory_space<vmem>> -> memref<1x128x64xf32, #tpu.memory_space<vmem>>
      %parallel_loop3A_309 = tpu.memref_squeeze %parallel_loop3A_308 : memref<1x128x64xf32, #tpu.memory_space<vmem>> -> memref<128x64xf32, #tpu.memory_space<vmem>>
      %parallel_loop3A_310 = arith.index_cast %parallel_loop3A_259 : i32 to index
      %parallel_loop3A_311 = arith.constant 48 : index
      %parallel_loop3A_312 = tpu.vector_load %parallel_loop3A_309[%parallel_loop3A_310, %parallel_loop3A_311] {strides = array<i32>} : memref<128x64xf32, #tpu.memory_space<vmem>>, vector<16xf32>,
      tpu.vector_store %parallel_loop3A_309[%parallel_loop3A_310, %parallel_loop3A_311], %parallel_loop3A_305 {strides = array<i32>} : memref<128x64xf32, #tpu.memory_space<vmem>>, vector<16xf32>,
    } {sc.loop_unroll_factor = 4 : i64, sc.parallel_access}
    %add3A_218 = arith.constant 384 : i32
    %add3A_219 = arith.addi %mul3A_2, %add3A_218 : i32
    %dma_start3A_220 = arith.constant 1 : i32
    %dma_start3A_221 = arith.constant 0 : i32
    %dma_start3A_222 = arith.constant 0 : i32
    %dma_start3A_223 = tpu.memref_slice %arg9[%dma_start3A_220, %dma_start3A_221, %dma_start3A_222] : memref<2x128x64xf32, #tpu.memory_space<vmem>> -> memref<1x128x64xf32, #tpu.memory_space<vmem>>
    %dma_start3A_224 = tpu.memref_squeeze %dma_start3A_223 : memref<1x128x64xf32, #tpu.memory_space<vmem>> -> memref<128x64xf32, #tpu.memory_space<vmem>>
    %dma_start3A_225 = arith.constant 0 : i32
    %dma_start3A_226 = tpu.memref_slice %arg5[%add3A_219, %dma_start3A_225] : memref<16384x64xf32, #tpu.memory_space<hbm>> -> memref<128x64xf32, #tpu.memory_space<hbm>>
    %dma_start3A_227 = arith.constant 0 : i32
    %dma_start3A_228 = tpu.memref_slice %arg5[%add3A_219, %dma_start3A_227] : memref<16384x64xf32, #tpu.memory_space<hbm>> -> memref<128x64xf32, #tpu.memory_space<hbm>>
    %dma_start3A_229 = arith.constant 0 : i32
    %dma_start3A_230 = arith.constant 0 : i32
    %dma_start3A_231 = tpu.memref_slice %arg9[%dma_start3A_220, %dma_start3A_229, %dma_start3A_230] : memref<2x128x64xf32, #tpu.memory_space<vmem>> -> memref<1x128x64xf32, #tpu.memory_space<vmem>>
    %dma_start3A_232 = tpu.memref_squeeze %dma_start3A_231 : memref<1x128x64xf32, #tpu.memory_space<vmem>> -> memref<128x64xf32, #tpu.memory_space<vmem>>
    tpu.enqueue_dma source(%dma_start3A_232 : memref<128x64xf32, #tpu.memory_space<vmem>>) target(%dma_start3A_228 : memref<128x64xf32, #tpu.memory_space<hbm>>) target_semaphore(%arg11 : memref<!tpu.dma_semaphore, #tpu.memory_space<semaphore_mem>>)
    %dma_wait3A_233 = arith.constant 0 : i32
    %dma_wait3A_234 = arith.constant 0 : i32
    %dma_wait3A_235 = arith.constant 0 : i32
    %dma_wait3A_236 = tpu.memref_slice %arg9[%dma_wait3A_233, %dma_wait3A_234, %dma_wait3A_235] : memref<2x128x64xf32, #tpu.memory_space<vmem>> -> memref<1x128x64xf32, #tpu.memory_space<vmem>>
    %dma_wait3A_237 = tpu.memref_squeeze %dma_wait3A_236 : memref<1x128x64xf32, #tpu.memory_space<vmem>> -> memref<128x64xf32, #tpu.memory_space<vmem>>
    %dma_wait3A_238 = arith.constant 0 : i32
    %dma_wait3A_239 = tpu.memref_slice %arg5[%mul3A_2, %dma_wait3A_238] : memref<16384x64xf32, #tpu.memory_space<hbm>> -> memref<128x64xf32, #tpu.memory_space<hbm>>
    %dma_wait3A_240 = arith.constant 0 : i32
    %dma_wait3A_241 = tpu.memref_slice %arg5[%mul3A_2, %dma_wait3A_240] : memref<16384x64xf32, #tpu.memory_space<hbm>> -> memref<128x64xf32, #tpu.memory_space<hbm>>
    %dma_wait3A_242 = arith.constant 0 : i32
    %dma_wait3A_243 = arith.constant 0 : i32
    %dma_wait3A_244 = tpu.memref_slice %arg9[%dma_wait3A_233, %dma_wait3A_242, %dma_wait3A_243] : memref<2x128x64xf32, #tpu.memory_space<vmem>> -> memref<1x128x64xf32, #tpu.memory_space<vmem>>
    %dma_wait3A_245 = tpu.memref_squeeze %dma_wait3A_244 : memref<1x128x64xf32, #tpu.memory_space<vmem>> -> memref<128x64xf32, #tpu.memory_space<vmem>>
    tpu.wait_dma2 semaphore(%arg11 : memref<!tpu.dma_semaphore, #tpu.memory_space<semaphore_mem>>) src(%dma_wait3A_245 : memref<128x64xf32, #tpu.memory_space<vmem>>) dst(%dma_wait3A_241 : memref<128x64xf32, #tpu.memory_space<hbm>>)
    %dma_wait3A_246 = arith.constant 0 : i32
    %dma_wait3A_247 = arith.constant 0 : i32
    %dma_wait3A_248 = arith.constant 0 : i32
    %dma_wait3A_249 = tpu.memref_slice %arg9[%dma_wait3A_246, %dma_wait3A_247, %dma_wait3A_248] : memref<2x128x64xf32, #tpu.memory_space<vmem>> -> memref<1x128x64xf32, #tpu.memory_space<vmem>>
    %dma_wait3A_250 = tpu.memref_squeeze %dma_wait3A_249 : memref<1x128x64xf32, #tpu.memory_space<vmem>> -> memref<128x64xf32, #tpu.memory_space<vmem>>
    %dma_wait3A_251 = arith.constant 0 : i32
    %dma_wait3A_252 = tpu.memref_slice %arg5[%mul3A_2, %dma_wait3A_251] : memref<16384x64xf32, #tpu.memory_space<hbm>> -> memref<128x64xf32, #tpu.memory_space<hbm>>
    %dma_wait3A_253 = arith.constant 0 : i32
    %dma_wait3A_254 = tpu.memref_slice %arg5[%mul3A_2, %dma_wait3A_253] : memref<16384x64xf32, #tpu.memory_space<hbm>> -> memref<128x64xf32, #tpu.memory_space<hbm>>
    %dma_wait3A_255 = arith.constant 0 : i32
    %dma_wait3A_256 = arith.constant 0 : i32
    %dma_wait3A_257 = tpu.memref_slice %arg9[%dma_wait3A_246, %dma_wait3A_255, %dma_wait3A_256] : memref<2x128x64xf32, #tpu.memory_space<vmem>> -> memref<1x128x64xf32, #tpu.memory_space<vmem>>
    %dma_wait3A_258 = tpu.memref_squeeze %dma_wait3A_257 : memref<1x128x64xf32, #tpu.memory_space<vmem>> -> memref<128x64xf32, #tpu.memory_space<vmem>>
    tpu.wait_dma2 semaphore(%arg11 : memref<!tpu.dma_semaphore, #tpu.memory_space<semaphore_mem>>) src(%dma_wait3A_258 : memref<128x64xf32, #tpu.memory_space<vmem>>) dst(%dma_wait3A_254 : memref<128x64xf32, #tpu.memory_space<hbm>>)
    return
  }
}

</mosaic_0001>

<sc_bundles>
// kernel: kernel.3.cloned.1.call-start
scs
__scs_entry_jumppad:
0x0: {  	(pc) =	sbr.rel $0x88, $3  }
0x1: {  	(tag) =	ssettag $0x0;
	lr =	simm.s32 $0x1  }
0x2: {  	[smem:$0x3F9E] =	sst lr;
	_ =	strace $0xD0000000  }
0x3: {  	_ = 	snop  }
0x4: {  	_ = 	snop  }
0x5: {  	_ = 	snop  }
0x6: {  	_ = 	snop  }
0x7: {  	_ = 	snop  }
__scs_overlays_trampoline_lowered:
0x8: {  	[smem:$0x3FAD] =	sst s0  }
0x9: {  	[smem:$0x3FAE] =	sst s1  }
0xa: {  	[smem:$0x3FAF] =	sst s2  }
0xb: {  	[smem:$0x3FB0] =	sst s3  }
0xc: {  	[smem:$0x3FB1] =	sst s4  }
0xd: {  	[smem:$0x3FB2] =	sst s5  }
0xe: {  	[smem:$0x3FB3] =	sst s6  }
0xf: {  	[smem:$0x3FB4] =	sst s7  }
0x10: {  	[smem:$0x3FB5] =	sst s8  }
0x11: {  	[smem:$0x3FB6] =	sst s9;
	s0 =	simm.s32 @!p0 $0x0  }
0x12: {  	s1 =	sld [smem:$0x3F9C];
	s0 =	simm.s32 @p0 $0x1  }
0x13: {  	[smem:$0x3FB7] =	sst s0;
	s0 =	simm.s32 @!p1 $0x0  }
0x14: {  	s2 =	sld [smem:$0x3F9B];
	s0 =	simm.s32 @p1 $0x1  }
0x15: {  	[smem:$0x3FB8] =	sst s0;
	s0 =	simm.s32 @!p2 $0x0  }
0x16: {  	s3 =	sld [smem:$0x3FDB];
	s0 =	simm.s32 @p2 $0x1  }
0x17: {  	s4 =	simm.s32 $0x1BF5;
	[smem:$0x3FBA] =	sst s0  }
0x18: {  	s0 =	sld [smem:$0x3F9D];
	_ =	swait.ge [sflag:s4], $0x0  }
0x19: {  	s7 =	sld [smem:$0x3F9E]  }
0x1a: {  	s8 =	sadd.s32 $0xFFFFE003, lr  }
0x1b: {  	s9 =	sadd.s32 $0xFFFFFEF7, lr;
	s5 =	simm.s32 $0xFFFFFFFF;
	p2 =	slt.u32 s8, $0xFFFFF086  }
0x1c: {  	p1 =	slt.u32 s9, $0xF7A;
	s5 =	simm.s32 @!p2 $0x0  }
0x1d: {  	s5 =	simm.s32 @p1 $0x1;
	p0 =	seq.s32 s7, s2  }
0x1e: {  	s7 =	smul.u32 @!p0 $0xF7A, s2;
	p2 =	seq.s32 @!p0 s5, $0x0  }
0x1f: {  	s9 =	smul.u32 $0xF7A, s1;
	s8 =	simm.s32 @!p0 $0x1BF5;
	p2 =	por !p2, p0  }
0x20: {  	[sflag:s8] =	ssyncset.s32 @!p0 $0xFFFFF086;
	s6 =	sadd.s32 @!p0 s3, s7;
	s7 =	simm.s32 @!p0 $0x108  }
0x21: {  	s3 =	sadd.s32 s3, s9;
	s6 =	sadd.s32 @!p0 $0x88, s6;
	s7 =	simm.s32 @p2 $0x1082  }
0x22: {  	[simem:s7], [sflag:s8] =	dma.local @!p0 [hbm:s6], $0xF7A  }
0x23: {  	s9 =	sor.u32 $0xD0000000, s2;
	s6 =	simm.s32 $0x108;
	_ =	swait.ge @!p0 [sflag:s8], $0x0  }
0x24: {  	s3 =	sadd.s32 $0x88, s3;
	s6 =	simm.s32 @!p1 $0x1082;
	[sflag:s4] =	ssyncset.s32 $0xFFFFF086  }
0x25: {  	[simem:s6], [sflag:s4] =	dma.local [hbm:s3], $0xF7A  }
0x26: {  	[smem:$0x3F9E] =	sst s1;
	(tag) =	ssettag s2;
	_ =	strace s9  }
0x27: {  	s1 =	sld [smem:$0x3FAE]  }
0x28: {  	s2 =	sld [smem:$0x3FAF]  }
0x29: {  	s4 =	sld [smem:$0x3FB1]  }
0x2a: {  	p0 =	seq.s32 s5, $0x0;
	s5 =	sld [smem:$0x3FB2]  }
0x2b: {  	s6 =	sld [smem:$0x3FB3]  }
0x2c: {  	s7 =	sld [smem:$0x3FB4]  }
0x2d: {  	s3 =	simm.s32 $0x108;
	s8 =	sld [smem:$0x3FB5]  }
0x2e: {  	s3 =	simm.s32 @!p0 $0x1082;
	s9 =	sld [smem:$0x3FB6]  }
0x2f: {  	lr =	sadd.s32 s0, s3;
	s0 =	sld [smem:$0x3FAD]  }
0x30: {  	s3 =	sld [smem:$0x3FB0]  }
0x31: {  	[smem:$0x3FB9] =	sst s10  }
0x32: {  	s10 =	sld [smem:$0x3FB7];
	_ =	sdelay $0x3  }
0x33: {  	p0 =	seq.s32 s10, $0x1;
	s10 =	sld [smem:$0x3FB9];
	_ =	sdelay $0x3  }
0x34: {  	[smem:$0x3FB9] =	sst s10  }
0x35: {  	s10 =	sld [smem:$0x3FB8];
	_ =	sdelay $0x3  }
0x36: {  	p1 =	seq.s32 s10, $0x1;
	s10 =	sld [smem:$0x3FB9];
	_ =	sdelay $0x3  }
0x37: {  	[smem:$0x3FB9] =	sst s10  }
0x38: {  	s10 =	sld [smem:$0x3FBA]  }
0x39: {  	_ = 	snop;
	(pc) =	sbr.ind lr, $3  }
0x3a: {  	_ = 	snop  }
0x3b: {  	_ = 	snop  }
0x3c: {  	p2 =	seq.s32 s10, $0x1;
	s10 =	sld [smem:$0x3FB9]  }
0x3d: {  	_ =	shalt  }
0x3e: {  	_ =	shalt  }
0x3f: {  	_ =	shalt  }
0x40: {  	_ =	shalt  }
0x41: {  	_ =	shalt  }
0x42: {  	_ =	shalt  }
0x43: {  	_ =	shalt  }
0x44: {  	_ =	shalt  }
0x45: {  	_ =	shalt  }
0x46: {  	_ =	shalt  }
0x47: {  	_ =	shalt  }
0x48: {  	_ =	shalt  }
0x49: {  	_ =	shalt  }
0x4a: {  	_ =	shalt  }
0x4b: {  	_ =	shalt  }
0x4c: {  	_ =	shalt  }
0x4d: {  	_ =	shalt  }
0x4e: {  	_ =	shalt  }
0x4f: {  	_ =	shalt  }
0x50: {  	_ =	shalt  }
0x51: {  	_ =	shalt  }
0x52: {  	_ =	shalt  }
0x53: {  	_ =	shalt  }
0x54: {  	_ =	shalt  }
0x55: {  	_ =	shalt  }
0x56: {  	_ =	shalt  }
0x57: {  	_ =	shalt  }
0x58: {  	_ =	shalt  }
0x59: {  	_ =	shalt  }
0x5a: {  	_ =	shalt  }
0x5b: {  	_ =	shalt  }
0x5c: {  	_ =	shalt  }
0x5d: {  	_ =	shalt  }
0x5e: {  	_ =	shalt  }
0x5f: {  	_ =	shalt  }
0x60: {  	_ =	shalt  }
0x61: {  	_ =	shalt  }
0x62: {  	_ =	shalt  }
0x63: {  	_ =	shalt  }
0x64: {  	_ =	shalt  }
0x65: {  	_ =	shalt  }
0x66: {  	_ =	shalt  }
0x67: {  	_ =	shalt  }
0x68: {  	_ =	shalt  }
0x69: {  	_ =	shalt  }
0x6a: {  	_ =	shalt  }
0x6b: {  	_ =	shalt  }
0x6c: {  	_ =	shalt  }
0x6d: {  	_ =	shalt  }
0x6e: {  	_ =	shalt  }
0x6f: {  	_ =	shalt  }
0x70: {  	_ =	shalt  }
0x71: {  	_ =	shalt  }
0x72: {  	_ =	shalt  }
0x73: {  	_ =	shalt  }
0x74: {  	_ =	shalt  }
0x75: {  	_ =	shalt  }
0x76: {  	_ =	shalt  }
0x77: {  	_ =	shalt  }
0x78: {  	_ =	shalt  }
0x79: {  	_ =	shalt  }
0x7a: {  	_ =	shalt  }
0x7b: {  	_ =	shalt  }
0x7c: {  	_ =	shalt  }
0x7d: {  	_ =	shalt  }
0x7e: {  	_ =	shalt  }
0x7f: {  	_ =	shalt  }
0x80: {  	_ =	shalt  }
0x81: {  	_ =	shalt  }
0x82: {  	_ =	shalt  }
0x83: {  	_ =	shalt  }
0x84: {  	_ =	shalt  }
0x85: {  	_ =	shalt  }
0x86: {  	_ =	shalt  }
0x87: {  	_ =	shalt  }
.Lfunc_end0:
.L_simem_size_0:
called_computation_lowered:
.L_overlay_start_0:
0x88: {  	s2 =	sld [smem:$0x3FD9]  }
0x89: {  	s3 =	sld [smem:$0x3FFE];
	_ =	sdelay $0x1  }
0x8a: {  	s1 =	srdreg.scid  }
0x8b: {  	s0 =	sand.u32 $0x1, s1  }
0x8c: {  	s17 =	sshll.u32 s0, $0xA;
	s2 =	sadd.s32 s3, s2  }
0x8d: {  	s2 =	sadd.s32 s2, s17  }
0x8e: {  	[smem:$0x3FC5] =	sst s2  }
0x8f: {  	_ = 	snop  }
0x90: {  	s2 =	sld [smem:$0x3FC9]  }
0x91: {  	s18 =	sld [smem:$0x3FC8]  }
0x92: {  	s4 =	sld [smem:$0x3FC7];
	(tm) =	ssettm $0x1  }
0x93: {  	s5 =	sld [smem:$0x3FFB];
	_ =	sdelay $0x3  }
0x94: {  	_ =	strace s5  }
0x95: {  	s5 =	sld [smem:$0x3FFC];
	_ =	sdelay $0x3  }
0x96: {  	_ =	strace s5  }
0x97: {  	s5 =	sld [smem:$0x3FFD];
	_ =	sdelay $0x3  }
0x98: {  	_ =	strace s5  }
0x99: {  	_ =	strace $0x8FFFFFFF  }
0x9a: {  	s19 =	sld [smem:$0x3FDB];
	_ =	sdelay $0x1  }
0x9b: {  	s6 =	simm.s32 $_scs_section_size  }
0x9c: {  	s7 =	simm.s32 $_size__tile_overlayer_lowered;
	s8 =	simm.s32 $_tile_overlayer_lowered  }
0x9d: {  	s22 =	simm.s32 $0x1BFF;
	s21 =	sshll.u32 s8, $0x1;
	s5 =	sadd.s32 s6, s19  }
0x9e: {  	s9 =	simm.s32 $0x0;
	s20 =	sshll.u32 s7, $0x1;
	s7 =	sadd.s32 s21, s5  }
0x9f: {  	[timem:s9], [sflag:s22] =	dma.local [hbm:s7], s20  }
0xa0: {  	_ =	swait.ge [sflag:s22], s20  }
0xa1: {  	s6 =	ssub.s32 $0x0, s20;
	[sflag:s22] =	ssyncset.done $0x0  }
0xa2: {  	[sflag:s22] =	ssyncadd.s32 s6;
	_ =	sdelay $0x1  }
0xa3: {  	s23 =	simm.s32 $0x1B8B  }
0xa4: {  	_ =	swait.ge [sflag:s23], $0x1  }
0xa5: {  	[sflag:s23] =	ssyncset.done $0x0  }
0xa6: {  	s25 =	simm.s32 $0x1B8E;
	s24 =	sld [smem:$0x3FFE];
	[sflag:s23] =	ssyncadd.s32 $0xFFFFFFFF  }
0xa7: {  	s26 =	simm.s32 $execute0_lowered;
	[smem:$0x3FD2] =	sst s25  }
0xa8: {  	s7 =	sshll.u32 s26, $0x1;
	_ =	strace $0x80000046;
	[dreg:$0x1] =	wrdreg $0xFFFFFFFF  }
0xa9: {  	s28 =	simm.s32 $_size_execute0_lowered;
	s5 =	sadd.s32 s5, s7;
	[dreg:$0x0] =	wrdreg $0x0  }
0xaa: {  	s7 =	sshll.u32 s28, $0x1;
	[dreg:$0x2] =	wrdreg s5  }
0xab: {  	[dreg:$0x3] =	wrdreg s7  }
0xac: {  	[dreg:$0x4] =	wrdreg $0xC0  }
0xad: {  	_ =	task [dreg:s9], $0x5FFFF  }
0xae: {  	[dreg:$0x1] =	wrdreg $0xFFFFFFFF  }
0xaf: {  	[dreg:$0x0] =	wrdreg $0x60  }
0xb0: {  	[dreg:$0x2] =	wrdreg s2  }
0xb1: {  	[dreg:$0x3] =	wrdreg s18  }
0xb2: {  	[dreg:$0x4] =	wrdreg s4  }
0xb3: {  	[dreg:$0x5] =	wrdreg s24  }
0xb4: {  	[dreg:$0x6] =	wrdreg $0x9  }
0xb5: {  	_ =	task.clear_ibuf [dreg:s9], $0x7FFFF;
	_ =	strace $0x90000046  }
0xb6: {  	s29 =	simm.s32 $0x9;
	_ =	strace $0x80000048  }
0xb7: {  	_ =	swait.ge [sflag:s29], $0x1  }
0xb8: {  	[sflag:s29] =	ssyncadd.s32 $0xFFFFFFFF  }
0xb9: {  	_ =	strace $0x90000048  }
0xba: {  	_ =	sfence  }
0xbb: {  	s30 =	sld [smem:$0x0];
	_ =	sdelay $0x2  }
0xbc: {  	s31 =	sshll.u32 s1, $0xD;
	s1 =	sshrl.u32 s1, $0x2  }
0xbd: {  	s3 =	sand.u32 $0x4000, s31;
	s1 =	sadd.s32 s1, s30  }
0xbe: {  	s0 =	sor.u32 s3, s0;
	s1 =	sshll.u32 s1, $0x11  }
0xbf: {  	s0 =	sor.u32 s1, s0  }
0xc0: {  	s0 =	sadd.s32 $0x8F2B, s0  }
0xc1: {  	[sflag:s0] =	ssyncadd.remote.s32 $0x1  }
0xc2: {  	_ =	sfence.sel $0xFFFF  }
0xc3: {  	[dreg:$0x0] =	wrdreg $0xFFFFFFFF;
	(pc) =	sbr.abs _section_cstart, $3  }
0xc4: {  	[dreg:$0x1] =	wrdreg $0xFFFFFFFF  }
0xc5: {  	_ =	task.clear_ibuf [dreg:s9], $0x2FFFF;
	_ =	strace $0x9FFFFFFF  }
0xc6: {  	(tm) =	ssettm $0x7FFFFFFF  }
0xc7: {  	_ =	shalt  }
tec
execute0_lowered:
.L_overlay_start_1:
0x0: {  	(tag) =	ssettag $0x1  }
0x1: {  	s10 =	rddreg [dreg:$0x0]  }
0x2: {  	s1 =	rddreg [dreg:$0x1]  }
0x3: {  	s2 =	rddreg [dreg:$0x2]  }
0x4: {  	s5 =	rddreg [dreg:$0x3]  }
0x5: {  	s0 =	rddreg [dreg:$0x4];
	s6 =	srdreg.scid  }
0x6: {  	s4 =	simm.s32 $0x0;
	s3 =	stileid.u32;
	s16 =	simm.s32 $0x100  }
0x7: {  	s17 =	simm.s32 $0x8100;
	s18 =	simm.s32 $0x1;
	s19 =	simm.s32 $0x10100  }
0x8: {  	s20 =	simm.s32 $0x14100;
	s21 =	simm.s32 $0x2;
	s22 =	simm.s32 $0x0  }
0x9: {  	s6 =	sand.u32 $0x1, s6;
	[smem:$0x7FF] =	sst s4;
	s7 =	sshll.u32 s3, $0xA  }
0xa: {  	s12 =	sadd.s32 $0x400, s5;
	s8 =	sshll.u32 s6, $0x9;
	s6 =	ssub.s32 $0x2, s6  }
0xb: {  	_ =	strace $0x80000047;
	s7 =	sor.u32 s8, s7;
	s26 =	sshrl.u32 s6, $0x1  }
0xc: {  	s8 =	sshrl.u32 s7, $0x3;
	s13 =	ssub.s32 s6, s26;
	s28 =	sshll.u32 s7, $0x5  }
0xd: {  	s7 =	sshll.u32 s7, $0x4;
	s9 =	sor.u32 $0x10, s8;
	s5 =	sadd.s32 s10, s28  }
0xe: {  	s7 =	sadd.s32 s12, s7;
	s11 =	sor.u32 $0x20, s8;
	s15 =	sor.u32 $0x30, s8  }
0xf: {  	s13 =	smax.u32 s13, $0x1;
	s29 =	sshll.u32 s9, $0x8;
	s14 =	sshll.u32 s11, $0x8  }
0x10: {  	s9 =	sshll.u32 s9, $0x7;
	s30 =	sshll.u32 s15, $0x8;
	s11 =	sshll.u32 s11, $0x7  }
0x11: {  	s31 =	sshll.u32 s15, $0x7;
	s15 =	simm.s32 $0x80;
	s6 =	sadd.s32 s10, s29  }
0x12: {  	s8 =	sadd.s32 s10, s14;
	s9 =	sadd.s32 s12, s9;
	s10 =	sadd.s32 s10, s30  }
0x13: {  	s11 =	sadd.s32 s12, s11;
	s12 =	sadd.s32 s12, s31;
	s14 =	simm.s32 $0x3  }
.LBB2_1:
0x14: {  	[tilespmem:s4], [sflag:$0x3] =	stream.linear.gather [hbm4b:s2+s4], $0x80, $0x38;
	[tilespmem:$0x18100] =	vst v63  }
0x15: {  	_ =	swait.ge [sflag:s14], $0x80  }
0x16: {  	[sflag:s14] =	ssyncset.done $0x0  }
0x17: {  	[sflag:s14] =	ssyncadd.s32 $0xFFFFFF80  }
0x18: {  	[tilespmem:s15], [sflag:$0x3] =	stream.linear.gather [hbm4b:s1+s4], $0x80, $0x38;
	[tilespmem:$0x18100] =	vst v63  }
0x19: {  	_ =	swait.ge [sflag:s14], $0x80  }
0x1a: {  	[sflag:s14] =	ssyncset.done $0x0  }
0x1b: {  	[sflag:s14] =	ssyncadd.s32 $0xFFFFFF80  }
0x1c: {  	v0 =	vld [tilespmem:$0x0]  }
0x1d: {  	v1 =	vld [tilespmem:$0x10]  }
0x1e: {  	v3 =	vld [tilespmem:$0x20];
	_ =	sdelay $0x1  }
0x1f: {  	s28 =	simm.s32 $0x3  }
0x20: {  	s31 =	simm.s32 $0x6;
	v22 =	vmov s28  }
0x21: {  	v27 =	vmov s31;
	v2 =	vshll.u32 v0, $0x3;
	v10 =	vand.u32 $0x7F, v0  }
0x22: {  	v0 =	vshll.u32 v1, $0x3;
	v6 =	vand.u32 $0x7F, v1;
	v4 =	vshll.u32 v3, $0x3  }
0x23: {  	s24 =	simm.s32 $0x2;
	v11 =	vand.u32 $0xFFFFFC00, v2;
	v8 =	vand.u32 $0xFFFFFC00, v0;
	v0 =	vmov s4  }
0x24: {  	v2 =	vand.u32 $0x7F, v3;
	v3 =	vmov s24;
	v1 =	vshll.u32 v0, $0x7  }
0x25: {  	s23 =	simm.s32 $0x1;
	v0 =	vshll.u32 v0, $0x8;
	v9 =	vshll.u32 v3, $0x7;
	v14 =	vshll.u32 v3, $0x8  }
0x26: {  	v13 =	vand.u32 $0x200, v1;
	v1 =	vmov s23;
	v21 =	vand.u32 $0x7800, v0  }
0x27: {  	v5 =	vld [tilespmem:$0x30];
	v19 =	vand.u32 $0x300, v9;
	v9 =	vshll.u32 v22, $0x8;
	v20 =	vand.u32 $0x7800, v14  }
0x28: {  	v7 =	vld [tilespmem:$0x80];
	v0 =	vshll.u32 v1, $0x7;
	v12 =	vshll.u32 v1, $0x8;
	v18 =	vadd.s32 v11, v21  }
0x29: {  	v3 =	vld [tilespmem:$0x90];
	v17 =	vand.u32 $0x7800, v9;
	v9 =	vshll.u32 v22, $0x7;
	v16 =	vand.u32 $0x7800, v12  }
0x2a: {  	v1 =	vld [tilespmem:$0xA0];
	v12 =	vor.u32 v13, v18;
	v14 =	vadd.s32 v11, v17;
	v18 =	vand.u32 $0x380, v9  }
0x2b: {  	v15 =	vand.u32 $0x280, v0;
	v0 =	vld [tilespmem:$0xB0];
	[tilespmem:s16], [sflag:$0x1] =	stream.linear.gather [hbm4b:s5+s4], $0x8000, $0x38;
	v9 =	vadd.s32 v11, v16;
	v14 =	vor.u32 v18, v14  }
0x2c: {  	s29 =	simm.s32 $0x4;
	v22 =	vadd.s32 v11, v20;
	v23 =	vor.u32 v15, v9;
	v14 =	vor.u32 v10, v14  }
0x2d: {  	[tilespmem:s17], [sflag:$0x1] =	stream.linear.gather [hbm4b:s6+s4], $0x8000, $0x38;
	v9 =	vand.u32 $0xFFFFFC00, v4;
	v4 =	vor.u32 v19, v22;
	v22 =	vor.u32 v10, v23;
	[tilespmem:$0x18100] =	vst v63  }
0x2e: {  	v25 =	vmov s29;
	v30 =	vshll.u32 v27, $0x7;
	_ =	swait.ge [sflag:s18], $0x8000;
	v24 =	vor.u32 v10, v4  }
0x2f: {  	v27 =	vshll.u32 v27, $0x8;
	v33 =	vadd.s32 v8, v20;
	v12 =	vor.u32 v10, v12;
	[sflag:s18] =	ssyncset.done $0x0  }
0x30: {  	v34 =	vadd.s32 v8, v21;
	v31 =	vadd.s32 v8, v17;
	v33 =	vor.u32 v19, v33;
	[sflag:s18] =	ssyncadd.s32 $0xFFFF8000  }
0x31: {  	v34 =	vor.u32 v13, v34;
	v32 =	vadd.s32 v8, v16;
	v31 =	vor.u32 v18, v31;
	v28 =	vld.idx.msk [tilespmem:v14+s16+$0x0], $0xffff  }
0x32: {  	v33 =	vor.u32 v6, v33;
	v34 =	vor.u32 v6, v34;
	v32 =	vor.u32 v15, v32;
	v29 =	vld.idx.msk [tilespmem:v22+s16+$0x0], $0xffff  }
0x33: {  	v31 =	vor.u32 v6, v31;
	v23 =	vshll.u32 v5, $0x3;
	v4 =	vand.u32 $0x7F, v5;
	v24 =	vld.idx.msk [tilespmem:v24+s16+$0x0], $0xffff  }
0x34: {  	v32 =	vor.u32 v6, v32;
	v35 =	vadd.s32 v9, v21;
	v63 =	vadd.s32 v9, v20;
	v26 =	vld.idx.msk [tilespmem:v12+s16+$0x0], $0xffff  }
0x35: {  	s30 =	simm.s32 $0x5;
	v5 =	vand.u32 $0xFFFFFC00, v23;
	v23 =	vshll.u32 v25, $0x7;
	v25 =	vshll.u32 v25, $0x8  }
0x36: {  	v12 =	vand.u32 $0x200, v23;
	v23 =	vmov s30;
	v28 =	vmul.f32 v28, v7  }
0x37: {  	s23 =	simm.s32 $0x10200;
	v14 =	vand.u32 $0x7800, v25;
	v25 =	vshll.u32 v23, $0x7;
	v29 =	vmul.f32 v29, v7  }
0x38: {  	v23 =	vshll.u32 v23, $0x8;
	v22 =	vadd.s32 v5, v21;
	v36 =	vmul.f32 v24, v7;
	[tilespmem:s23+$0x80] =	vst v28  }
0x39: {  	v21 =	vand.u32 $0x300, v30;
	v30 =	vadd.s32 v9, v17;
	v26 =	vmul.f32 v26, v7;
	[tilespmem:s23+$0xFFFFFF80] =	vst v29;
	v28 =	vld.idx.msk [tilespmem:v31+s16+$0x0], $0xffff  }
0x3a: {  	v30 =	vor.u32 v18, v30;
	v24 =	vand.u32 $0x280, v25;
	v25 =	vand.u32 $0x7800, v23;
	[tilespmem:s23+$0x0] =	vst v36;
	v32 =	vld.idx.msk [tilespmem:v32+s16+$0x0], $0xffff  }
0x3b: {  	v23 =	vand.u32 $0x7800, v27;
	v27 =	vadd.s32 v9, v16;
	[tilespmem:s23+$0xFFFFFF00] =	vst v26;
	v29 =	vadd.s32 v11, v14;
	v36 =	vld.idx.msk [tilespmem:v33+s16+$0x0], $0xffff  }
0x3c: {  	v30 =	vor.u32 v2, v30;
	v27 =	vor.u32 v15, v27;
	v37 =	vor.u32 v12, v29;
	v29 =	vld.idx.msk [tilespmem:v34+s16+$0x0], $0xffff  }
0x3d: {  	v35 =	vor.u32 v13, v35;
	v31 =	vor.u32 v2, v27;
	v27 =	vor.u32 v19, v63  }
0x3e: {  	v38 =	vadd.s32 v11, v25;
	v27 =	vor.u32 v2, v27;
	v39 =	vmul.f32 v28, v3  }
0x3f: {  	v26 =	vor.u32 v2, v35;
	v35 =	vor.u32 v24, v38;
	v33 =	vmul.f32 v32, v3  }
0x40: {  	s26 =	simm.s32 $0x7;
	s25 =	simm.s32 $0x8;
	s24 =	simm.s32 $0x10200;
	v34 =	vadd.s32 v11, v23;
	v28 =	vor.u32 v10, v37;
	v32 =	vmul.f32 v36, v3;
	[tilespmem:s23+$0x90] =	vst v39  }
.LBB2_2:
0x41: {  	p0 =	slt.u32 s25, $0x7C;
	v34 =	vor.u32 v21, v34;
	v36 =	vmov s26;
	v29 =	vmul.f32 v29, v3;
	[tilespmem:s23+$0xFFFFFF90] =	vst v33;
	v30 =	vld.idx.msk [tilespmem:v30+s16+$0x0], $0xffff  }
0x42: {  	v33 =	vor.u32 v10, v35;
	v34 =	vor.u32 v10, v34;
	v35 =	vshll.u32 v36, $0x8;
	v31 =	vld.idx.msk [tilespmem:v31+s16+$0x0], $0xffff;
	[tilespmem:s23+$0x10] =	vst v32  }
0x43: {  	v32 =	vshll.u32 v36, $0x7;
	[tilespmem:s23+$0xFFFFFF10] =	vst v29;
	v27 =	vld.idx.msk [tilespmem:v27+s16+$0x0], $0xffff;
	v29 =	vadd.s32 v5, v17;
	v17 =	vand.u32 $0x7800, v35  }
0x44: {  	v35 =	vadd.s32 v11, v17;
	v26 =	vld.idx.msk [tilespmem:v26+s16+$0x0], $0xffff;
	v29 =	vor.u32 v18, v29;
	v18 =	vand.u32 $0x380, v32  }
0x45: {  	v32 =	vor.u32 v18, v35;
	v35 =	vadd.s32 v5, v16;
	v29 =	vor.u32 v4, v29;
	v16 =	vmovc v25  }
0x46: {  	v20 =	vadd.s32 v5, v20;
	v25 =	vor.u32 v10, v32;
	v32 =	vor.u32 v15, v35;
	v15 =	vmovc v24  }
0x47: {  	v19 =	vor.u32 v19, v20;
	v20 =	vmul.f32 v30, v1;
	v24 =	vld.idx.msk [tilespmem:v28+s16+$0x0], $0xffff;
	v28 =	vor.u32 v4, v32  }
0x48: {  	v35 =	vor.u32 v13, v22;
	v22 =	vmul.f32 v31, v1;
	v31 =	vor.u32 v4, v19;
	v30 =	vld.idx.msk [tilespmem:v33+s16+$0x0], $0xffff  }
0x49: {  	v36 =	vmov s25;
	v13 =	vmovc v12;
	v33 =	vor.u32 v4, v35;
	v27 =	vmul.f32 v27, v1;
	v32 =	vld.idx.msk [tilespmem:v34+s16+$0x0], $0xffff;
	[tilespmem:s23+$0xA0] =	vst v20  }
0x4a: {  	s26 =	sadd.s32 $0x1, s25;
	s28 =	sadd.s32 $0x2, s25;
	v12 =	vshll.u32 v36, $0x7;
	v19 =	vmovc v21;
	v34 =	vshll.u32 v36, $0x8;
	v26 =	vmul.f32 v26, v1;
	[tilespmem:s23+$0xFFFFFFA0] =	vst v22;
	v29 =	vld.idx.msk [tilespmem:v29+s16+$0x0], $0xffff  }
0x4b: {  	v12 =	vand.u32 $0x200, v12;
	v21 =	vmov s26;
	v35 =	vmov s28;
	v20 =	vmovc v23;
	v25 =	vld.idx.msk [tilespmem:v25+s16+$0x0], $0xffff;
	[tilespmem:s23+$0x20] =	vst v27  }
0x4c: {  	v23 =	vand.u32 $0x7800, v34;
	v34 =	vshll.u32 v35, $0x7;
	v27 =	vshll.u32 v21, $0x7;
	[tilespmem:s23+$0xFFFFFF20] =	vst v26;
	v26 =	vld.idx.msk [tilespmem:v28+s16+$0x0], $0xffff  }
0x4d: {  	v22 =	vadd.s32 v5, v14;
	v28 =	vshll.u32 v21, $0x8;
	v21 =	vadd.s32 v8, v17;
	v31 =	vld.idx.msk [tilespmem:v31+s16+$0x0], $0xffff  }
0x4e: {  	v37 =	vadd.s32 v8, v16;
	v36 =	vadd.s32 v8, v14;
	v21 =	vor.u32 v18, v21;
	v33 =	vld.idx.msk [tilespmem:v33+s16+$0x0], $0xffff  }
0x4f: {  	v37 =	vor.u32 v15, v37;
	v38 =	vadd.s32 v8, v20;
	v21 =	vor.u32 v6, v21  }
0x50: {  	v37 =	vor.u32 v6, v37;
	v38 =	vor.u32 v19, v38;
	v29 =	vmul.f32 v29, v0  }
0x51: {  	v36 =	vor.u32 v13, v36;
	v38 =	vor.u32 v6, v38;
	v25 =	vmul.f32 v25, v7  }
0x52: {  	v36 =	vor.u32 v6, v36;
	s23 =	sadd.s32 $0x200, s23;
	v30 =	vmul.f32 v30, v7;
	v26 =	vmul.f32 v26, v0;
	[tilespmem:s24+$0xB0] =	vst v29  }
0x53: {  	v41 =	vmul.f32 v32, v7;
	v29 =	vadd.s32 v9, v14;
	v31 =	vmul.f32 v31, v0;
	[tilespmem:s23+$0x80] =	vst v25  }
0x54: {  	v32 =	vshll.u32 v35, $0x8;
	v35 =	vmul.f32 v24, v7;
	v33 =	vmul.f32 v33, v0;
	[tilespmem:s23+$0xFFFFFF80] =	vst v30;
	v39 =	vld.idx.msk [tilespmem:v21+s16+$0x0], $0xffff  }
0x55: {  	v40 =	vadd.s32 v11, v23;
	v24 =	vand.u32 $0x280, v27;
	v14 =	vmovc v23;
	v21 =	vand.u32 $0x300, v34;
	v37 =	vld.idx.msk [tilespmem:v37+s16+$0x0], $0xffff;
	[tilespmem:s23+$0x0] =	vst v41  }
0x56: {  	v27 =	vadd.s32 v9, v17;
	v25 =	vand.u32 $0x7800, v28;
	v28 =	vor.u32 v13, v29;
	[tilespmem:s23+$0xFFFFFF00] =	vst v35;
	v38 =	vld.idx.msk [tilespmem:v38+s16+$0x0], $0xffff  }
0x57: {  	v27 =	vor.u32 v18, v27;
	v23 =	vand.u32 $0x7800, v32;
	v30 =	vadd.s32 v9, v16;
	v29 =	vld.idx.msk [tilespmem:v36+s16+$0x0], $0xffff;
	[tilespmem:s24+$0xFFFFFFB0] =	vst v26  }
.Ltmp0:
0x58: {  	v32 =	vadd.s32 v9, v20;
	v26 =	vor.u32 v15, v30;
	v30 =	vor.u32 v2, v27;
	[tilespmem:s24+$0x30] =	vst v31;
	(pc) =	sbr.rel @p0 .LBB2_2-.Ltmp0, $4  }
0x59: {  	v35 =	vor.u32 v12, v40;
	v31 =	vor.u32 v2, v26;
	v26 =	vor.u32 v19, v32;
	[tilespmem:s24+$0xFFFFFF30] =	vst v33;
	s24 =	smov.u32 s23  }
0x5a: {  	v32 =	vadd.s32 v11, v25;
	v27 =	vor.u32 v2, v26;
	v36 =	vmul.f32 v39, v3  }
0x5b: {  	v34 =	vadd.s32 v11, v23;
	v26 =	vor.u32 v2, v28;
	v33 =	vmul.f32 v37, v3  }
0x5c: {  	s26 =	sadd.s32 $0x3, s25;
	s25 =	sadd.s32 $0x4, s25;
	v28 =	vor.u32 v10, v35;
	v35 =	vor.u32 v24, v32;
	v32 =	vmul.f32 v38, v3;
	[tilespmem:s23+$0x90] =	vst v36  }
0x5d: {  	v36 =	vmov s26  }
0x5e: {  	v37 =	vshll.u32 v36, $0x8  }
0x5f: {  	v36 =	vshll.u32 v36, $0x7;
	v37 =	vand.u32 $0x7800, v37  }
0x60: {  	v36 =	vand.u32 $0x380, v36;
	v38 =	vadd.s32 v11, v37  }
0x61: {  	v35 =	vor.u32 v10, v35;
	v38 =	vor.u32 v36, v38  }
0x62: {  	v34 =	vor.u32 v21, v34;
	v38 =	vor.u32 v10, v38  }
0x63: {  	v34 =	vor.u32 v10, v34  }
0x64: {  	[tilespmem:s23+$0xFFFFFF90] =	vst v33;
	v17 =	vadd.s32 v5, v17  }
0x65: {  	v30 =	vld.idx.msk [tilespmem:v30+s16+$0x0], $0xffff;
	v29 =	vmul.f32 v29, v3;
	v16 =	vadd.s32 v5, v16;
	v50 =	vadd.s32 v8, v25  }
0x66: {  	v51 =	vadd.s32 v8, v23;
	v15 =	vor.u32 v15, v16;
	v16 =	vadd.s32 v5, v20;
	v20 =	vld.idx.msk [tilespmem:v35+s16+$0x0], $0xffff  }
0x67: {  	v52 =	vadd.s32 v8, v14;
	v13 =	vor.u32 v13, v22;
	v17 =	vor.u32 v18, v17;
	v18 =	vld.idx.msk [tilespmem:v38+s16+$0x0], $0xffff  }
0x68: {  	v16 =	vor.u32 v19, v16;
	v49 =	vadd.s32 v8, v37;
	v19 =	vld.idx.msk [tilespmem:v34+s16+$0x0], $0xffff;
	v34 =	vor.u32 v24, v50  }
0x69: {  	v28 =	vld.idx.msk [tilespmem:v28+s16+$0x0], $0xffff;
	v54 =	vadd.s32 v9, v23;
	v33 =	vor.u32 v36, v49;
	v34 =	vor.u32 v6, v34  }
0x6a: {  	v55 =	vadd.s32 v9, v14;
	v31 =	vld.idx.msk [tilespmem:v31+s16+$0x0], $0xffff;
	v33 =	vor.u32 v6, v33;
	v35 =	vor.u32 v21, v51  }
0x6b: {  	[tilespmem:s23+$0xFFFFFF10] =	vst v29;
	v29 =	vor.u32 v12, v52;
	v53 =	vor.u32 v6, v35;
	v20 =	vmul.f32 v20, v7  }
0x6c: {  	s25 =	sadd.s32 $0x200, s23;
	v23 =	vadd.s32 v5, v23;
	[tilespmem:s23+$0x10] =	vst v32;
	v29 =	vor.u32 v6, v29;
	v18 =	vmul.f32 v18, v7  }
0x6d: {  	v14 =	vadd.s32 v5, v14;
	v27 =	vld.idx.msk [tilespmem:v27+s16+$0x0], $0xffff;
	v19 =	vmul.f32 v19, v7;
	[tilespmem:s25+$0xFFFFFF80] =	vst v20  }
0x6e: {  	v32 =	vor.u32 v21, v54;
	[tilespmem:s25+$0x80] =	vst v18;
	v18 =	vmul.f32 v28, v7;
	v28 =	vld.idx.msk [tilespmem:v34+s16+$0x0], $0xffff  }
0x6f: {  	v22 =	vmul.f32 v31, v1;
	v31 =	vadd.s32 v9, v25;
	[tilespmem:s25+$0x0] =	vst v19;
	v20 =	vld.idx.msk [tilespmem:v33+s16+$0x0], $0xffff  }
0x70: {  	v31 =	vor.u32 v24, v31;
	v19 =	vadd.s32 v9, v37;
	[tilespmem:s25+$0xFFFFFF00] =	vst v18;
	v18 =	vld.idx.msk [tilespmem:v53+s16+$0x0], $0xffff  }
0x71: {  	v30 =	vmul.f32 v30, v1;
	v31 =	vor.u32 v2, v31;
	v19 =	vor.u32 v36, v19;
	v29 =	vld.idx.msk [tilespmem:v29+s16+$0x0], $0xffff  }
0x72: {  	v13 =	vor.u32 v4, v13;
	v32 =	vor.u32 v2, v32;
	v19 =	vor.u32 v2, v19  }
0x73: {  	v26 =	vld.idx.msk [tilespmem:v26+s16+$0x0], $0xffff;
	[tilespmem:s23+$0xA0] =	vst v30;
	v30 =	vor.u32 v12, v55;
	v28 =	vmul.f32 v28, v3  }
0x74: {  	v17 =	vor.u32 v4, v17;
	[tilespmem:s23+$0xFFFFFFA0] =	vst v22;
	v22 =	vor.u32 v2, v30;
	v20 =	vmul.f32 v20, v3  }
0x75: {  	v15 =	vor.u32 v4, v15;
	v25 =	vadd.s32 v5, v25;
	v18 =	vmul.f32 v18, v3;
	[tilespmem:s25+$0xFFFFFF90] =	vst v28  }
0x76: {  	[tilespmem:s25+$0x90] =	vst v20;
	v20 =	vmul.f32 v27, v1;
	v27 =	vmul.f32 v29, v3;
	v28 =	vld.idx.msk [tilespmem:v31+s16+$0x0], $0xffff  }
0x77: {  	v16 =	vor.u32 v4, v16;
	v24 =	vor.u32 v24, v25;
	v19 =	vld.idx.msk [tilespmem:v19+s16+$0x0], $0xffff;
	[tilespmem:s25+$0x10] =	vst v18  }
0x78: {  	v26 =	vmul.f32 v26, v1;
	v18 =	vadd.s32 v5, v37;
	[tilespmem:s25+$0xFFFFFF10] =	vst v27;
	v27 =	vld.idx.msk [tilespmem:v32+s16+$0x0], $0xffff  }
0x79: {  	v18 =	vor.u32 v36, v18;
	[tilespmem:s23+$0x20] =	vst v20;
	v20 =	vor.u32 v4, v24;
	v22 =	vld.idx.msk [tilespmem:v22+s16+$0x0], $0xffff  }
0x7a: {  	v21 =	vor.u32 v21, v23;
	v15 =	vld.idx.msk [tilespmem:v15+s16+$0x0], $0xffff;
	[tilespmem:s23+$0xFFFFFF20] =	vst v26;
	v18 =	vor.u32 v4, v18  }
0x7b: {  	v12 =	vor.u32 v12, v14;
	v14 =	vor.u32 v4, v21;
	v13 =	vld.idx.msk [tilespmem:v13+s16+$0x0], $0xffff;
	v21 =	vmul.f32 v28, v1  }
0x7c: {  	v12 =	vor.u32 v4, v12;
	v16 =	vld.idx.msk [tilespmem:v16+s16+$0x0], $0xffff;
	v19 =	vmul.f32 v19, v1  }
0x7d: {  	v17 =	vld.idx.msk [tilespmem:v17+s16+$0x0], $0xffff;
	v23 =	vmul.f32 v27, v1;
	[tilespmem:s25+$0xFFFFFFA0] =	vst v21  }
0x7e: {  	[tilespmem:s25+$0xA0] =	vst v19;
	v19 =	vmul.f32 v22, v1;
	v20 =	vld.idx.msk [tilespmem:v20+s16+$0x0], $0xffff  }
0x7f: {  	v18 =	vld.idx.msk [tilespmem:v18+s16+$0x0], $0xffff;
	[tilespmem:s25+$0x20] =	vst v23  }
0x80: {  	s29 =	simm.s32 $0x0;
	v15 =	vmul.f32 v15, v0;
	[tilespmem:s25+$0xFFFFFF20] =	vst v19;
	v14 =	vld.idx.msk [tilespmem:v14+s16+$0x0], $0xffff  }
0x81: {  	s28 =	simm.s32 $0x3;
	v16 =	vmul.f32 v16, v0;
	v19 =	vmul.f32 v13, v0;
	v13 =	vmov s29;
	v12 =	vld.idx.msk [tilespmem:v12+s16+$0x0], $0xffff  }
0x82: {  	s31 =	simm.s32 $0x2;
	v17 =	vmul.f32 v17, v0;
	[tilespmem:s24+$0xFFFFFFB0] =	vst v15;
	v23 =	vmov s28;
	v15 =	vshll.u32 v13, $0x7  }
0x83: {  	[tilespmem:s24+$0x30] =	vst v16;
	v16 =	vshll.u32 v13, $0x8;
	v13 =	vand.u32 $0x200, v15;
	v15 =	vmov s31  }
0x84: {  	s30 =	simm.s32 $0x1;
	[tilespmem:s24+$0xB0] =	vst v17;
	v21 =	vand.u32 $0x7800, v16;
	v22 =	vshll.u32 v15, $0x8;
	v17 =	vmul.f32 v18, v0  }
0x85: {  	[tilespmem:s24+$0xFFFFFF30] =	vst v19;
	v18 =	vmul.f32 v20, v0;
	v20 =	vmov s30;
	v14 =	vmul.f32 v14, v0  }
0x86: {  	v16 =	vshll.u32 v20, $0x7;
	v20 =	vshll.u32 v20, $0x8;
	v12 =	vmul.f32 v12, v0;
	[tilespmem:s25+$0xB0] =	vst v17  }
0x87: {  	v17 =	vshll.u32 v15, $0x7;
	[tilespmem:s25+$0xFFFFFFB0] =	vst v18;
	v18 =	vadd.s32 v11, v21;
	v15 =	vand.u32 $0x280, v16  }
0x88: {  	v16 =	vand.u32 $0x7800, v20;
	v20 =	vand.u32 $0x7800, v22;
	[tilespmem:s25+$0x30] =	vst v14;
	v14 =	vshll.u32 v23, $0x8  }
0x89: {  	v19 =	vand.u32 $0x300, v17;
	[tilespmem:s25+$0xFFFFFF30] =	vst v12;
	v17 =	vand.u32 $0x7800, v14;
	v12 =	vshll.u32 v23, $0x7  }
0x8a: {  	v14 =	vor.u32 v13, v18;
	v22 =	vadd.s32 v11, v17;
	v18 =	vand.u32 $0x380, v12  }
0x8b: {  	[hbm4b:s7+s29] =	stream.linear.scatter [tilespmem:s19], [sflag:$0x2], $0x4000, $0x38;
	v12 =	vadd.s32 v11, v16;
	v22 =	vor.u32 v18, v22;
	[tilespmem:$0x18100] =	vst v63  }
0x8c: {  	v23 =	vadd.s32 v11, v20;
	v12 =	vor.u32 v15, v12;
	v22 =	vor.u32 v10, v22  }
0x8d: {  	v23 =	vor.u32 v19, v23;
	[tilespmem:s16], [sflag:$0x1] =	stream.linear.gather [hbm4b:s8+s29], $0x8000, $0x38;
	v24 =	vor.u32 v10, v12;
	[tilespmem:$0x18100] =	vst v63  }
0x8e: {  	s31 =	simm.s32 $0x6;
	v23 =	vor.u32 v10, v23;
	_ =	swait.ge [sflag:s18], $0x8000  }
0x8f: {  	v27 =	vmov s31;
	v58 =	vadd.s32 v8, v21;
	v14 =	vor.u32 v10, v14;
	[sflag:s18] =	ssyncset.done $0x0  }
0x90: {  	v59 =	vadd.s32 v9, v21;
	v30 =	vshll.u32 v27, $0x7;
	v34 =	vor.u32 v13, v58;
	[sflag:s18] =	ssyncadd.s32 $0xFFFF8000  }
0x91: {  	v27 =	vshll.u32 v27, $0x8;
	v35 =	vor.u32 v13, v59;
	v34 =	vor.u32 v6, v34;
	v28 =	vld.idx.msk [tilespmem:v22+s17+$0x0], $0xffff  }
0x92: {  	v56 =	vadd.s32 v8, v16;
	v57 =	vadd.s32 v8, v20;
	v31 =	vadd.s32 v8, v17;
	v24 =	vld.idx.msk [tilespmem:v24+s17+$0x0], $0xffff  }
0x93: {  	v61 =	vadd.s32 v9, v20;
	v32 =	vor.u32 v15, v56;
	v31 =	vor.u32 v18, v31;
	s29 =	simm.s32 $0x4;
	v23 =	vld.idx.msk [tilespmem:v23+s17+$0x0], $0xffff  }
0x94: {  	v33 =	vor.u32 v19, v57;
	v31 =	vor.u32 v6, v31;
	v12 =	vmov s29;
	v26 =	vld.idx.msk [tilespmem:v14+s17+$0x0], $0xffff  }
0x95: {  	v32 =	vor.u32 v6, v32;
	v33 =	vor.u32 v6, v33;
	v25 =	vshll.u32 v12, $0x7  }
0x96: {  	s30 =	simm.s32 $0x5;
	v14 =	vshll.u32 v12, $0x8;
	v12 =	vand.u32 $0x200, v25;
	v28 =	vmul.f32 v28, v7  }
0x97: {  	s23 =	simm.s32 $0x142B0;
	v25 =	vmov s30;
	v14 =	vand.u32 $0x7800, v14;
	v24 =	vmul.f32 v24, v7  }
0x98: {  	v29 =	vshll.u32 v25, $0x7;
	v25 =	vshll.u32 v25, $0x8;
	v23 =	vmul.f32 v23, v7;
	[tilespmem:s23+$0xFFFFFFD0] =	vst v28  }
0x99: {  	v22 =	vadd.s32 v5, v21;
	v21 =	vand.u32 $0x300, v30;
	v26 =	vmul.f32 v26, v7;
	[tilespmem:s23+$0xFFFFFED0] =	vst v24;
	v28 =	vld.idx.msk [tilespmem:v31+s17+$0x0], $0xffff  }
0x9a: {  	v25 =	vand.u32 $0x7800, v25;
	[tilespmem:s23+$0xFFFFFF50] =	vst v23;
	v24 =	vand.u32 $0x280, v29;
	v29 =	vadd.s32 v9, v17;
	v32 =	vld.idx.msk [tilespmem:v32+s17+$0x0], $0xffff  }
0x9b: {  	v23 =	vand.u32 $0x7800, v27;
	v27 =	vadd.s32 v9, v16;
	[tilespmem:s23+$0xFFFFFE50] =	vst v26;
	v60 =	vld.idx.msk [tilespmem:v33+s17+$0x0], $0xffff;
	v29 =	vor.u32 v18, v29  }
0x9c: {  	v27 =	vor.u32 v15, v27;
	v31 =	vadd.s32 v11, v14;
	v30 =	vor.u32 v2, v29;
	v29 =	vld.idx.msk [tilespmem:v34+s17+$0x0], $0xffff  }
0x9d: {  	v62 =	vor.u32 v12, v31;
	v31 =	vor.u32 v2, v27;
	v27 =	vor.u32 v19, v61  }
0x9e: {  	v63 =	vadd.s32 v11, v25;
	v27 =	vor.u32 v2, v27;
	v39 =	vmul.f32 v28, v3  }
0x9f: {  	v26 =	vor.u32 v2, v35;
	v35 =	vor.u32 v24, v63;
	v33 =	vmul.f32 v32, v3  }
0xa0: {  	s26 =	simm.s32 $0x7;
	s24 =	simm.s32 $0x142B0;
	s25 =	simm.s32 $0x8;
	v34 =	vadd.s32 v11, v23;
	v28 =	vor.u32 v10, v62;
	v32 =	vmul.f32 v60, v3;
	[tilespmem:s23+$0xFFFFFFE0] =	vst v39  }
.LBB2_4:
0xa1: {  	p0 =	slt.u32 s25, $0x7C;
	v34 =	vor.u32 v21, v34;
	v36 =	vmov s26;
	v29 =	vmul.f32 v29, v3;
	[tilespmem:s23+$0xFFFFFEE0] =	vst v33;
	v30 =	vld.idx.msk [tilespmem:v30+s17+$0x0], $0xffff  }
0xa2: {  	v33 =	vor.u32 v10, v35;
	v34 =	vor.u32 v10, v34;
	v35 =	vshll.u32 v36, $0x8;
	v31 =	vld.idx.msk [tilespmem:v31+s17+$0x0], $0xffff;
	[tilespmem:s23+$0xFFFFFF60] =	vst v32  }
0xa3: {  	v32 =	vshll.u32 v36, $0x7;
	[tilespmem:s23+$0xFFFFFE60] =	vst v29;
	v27 =	vld.idx.msk [tilespmem:v27+s17+$0x0], $0xffff;
	v29 =	vadd.s32 v5, v17;
	v17 =	vand.u32 $0x7800, v35  }
0xa4: {  	v35 =	vadd.s32 v11, v17;
	v26 =	vld.idx.msk [tilespmem:v26+s17+$0x0], $0xffff;
	v29 =	vor.u32 v18, v29;
	v18 =	vand.u32 $0x380, v32  }
0xa5: {  	v32 =	vor.u32 v18, v35;
	v35 =	vadd.s32 v5, v16;
	v29 =	vor.u32 v4, v29;
	v16 =	vmovc v25  }
0xa6: {  	v20 =	vadd.s32 v5, v20;
	v25 =	vor.u32 v10, v32;
	v32 =	vor.u32 v15, v35;
	v15 =	vmovc v24  }
0xa7: {  	v19 =	vor.u32 v19, v20;
	v20 =	vmul.f32 v30, v1;
	v24 =	vld.idx.msk [tilespmem:v28+s17+$0x0], $0xffff;
	v28 =	vor.u32 v4, v32  }
0xa8: {  	v35 =	vor.u32 v13, v22;
	v22 =	vmul.f32 v31, v1;
	v31 =	vor.u32 v4, v19;
	v30 =	vld.idx.msk [tilespmem:v33+s17+$0x0], $0xffff  }
0xa9: {  	v36 =	vmov s25;
	v13 =	vmovc v12;
	v33 =	vor.u32 v4, v35;
	v27 =	vmul.f32 v27, v1;
	v32 =	vld.idx.msk [tilespmem:v34+s17+$0x0], $0xffff;
	[tilespmem:s23+$0xFFFFFFF0] =	vst v20  }
0xaa: {  	s26 =	sadd.s32 $0x1, s25;
	s28 =	sadd.s32 $0x2, s25;
	v12 =	vshll.u32 v36, $0x7;
	v19 =	vmovc v21;
	v34 =	vshll.u32 v36, $0x8;
	v26 =	vmul.f32 v26, v1;
	[tilespmem:s23+$0xFFFFFEF0] =	vst v22;
	v29 =	vld.idx.msk [tilespmem:v29+s17+$0x0], $0xffff  }
0xab: {  	v12 =	vand.u32 $0x200, v12;
	v21 =	vmov s26;
	v35 =	vmov s28;
	v20 =	vmovc v23;
	v25 =	vld.idx.msk [tilespmem:v25+s17+$0x0], $0xffff;
	[tilespmem:s23+$0xFFFFFF70] =	vst v27  }
0xac: {  	v23 =	vand.u32 $0x7800, v34;
	v34 =	vshll.u32 v35, $0x7;
	v27 =	vshll.u32 v21, $0x7;
	[tilespmem:s23+$0xFFFFFE70] =	vst v26;
	v26 =	vld.idx.msk [tilespmem:v28+s17+$0x0], $0xffff  }
0xad: {  	v22 =	vadd.s32 v5, v14;
	v28 =	vshll.u32 v21, $0x8;
	v21 =	vadd.s32 v8, v17;
	v31 =	vld.idx.msk [tilespmem:v31+s17+$0x0], $0xffff  }
0xae: {  	v37 =	vadd.s32 v8, v16;
	v36 =	vadd.s32 v8, v14;
	v21 =	vor.u32 v18, v21;
	v33 =	vld.idx.msk [tilespmem:v33+s17+$0x0], $0xffff  }
0xaf: {  	v37 =	vor.u32 v15, v37;
	v38 =	vadd.s32 v8, v20;
	v21 =	vor.u32 v6, v21  }
0xb0: {  	v37 =	vor.u32 v6, v37;
	v38 =	vor.u32 v19, v38;
	v29 =	vmul.f32 v29, v0  }
0xb1: {  	v36 =	vor.u32 v13, v36;
	v38 =	vor.u32 v6, v38;
	v25 =	vmul.f32 v25, v7  }
0xb2: {  	v36 =	vor.u32 v6, v36;
	s23 =	sadd.s32 $0x200, s23;
	v30 =	vmul.f32 v30, v7;
	v26 =	vmul.f32 v26, v0;
	[tilespmem:s24+$0x0] =	vst v29  }
0xb3: {  	v41 =	vmul.f32 v32, v7;
	v29 =	vadd.s32 v9, v14;
	v31 =	vmul.f32 v31, v0;
	[tilespmem:s23+$0xFFFFFFD0] =	vst v25  }
0xb4: {  	v32 =	vshll.u32 v35, $0x8;
	v35 =	vmul.f32 v24, v7;
	v33 =	vmul.f32 v33, v0;
	[tilespmem:s23+$0xFFFFFED0] =	vst v30;
	v39 =	vld.idx.msk [tilespmem:v21+s17+$0x0], $0xffff  }
0xb5: {  	v40 =	vadd.s32 v11, v23;
	v24 =	vand.u32 $0x280, v27;
	v14 =	vmovc v23;
	v21 =	vand.u32 $0x300, v34;
	v37 =	vld.idx.msk [tilespmem:v37+s17+$0x0], $0xffff;
	[tilespmem:s23+$0xFFFFFF50] =	vst v41  }
0xb6: {  	v27 =	vadd.s32 v9, v17;
	v25 =	vand.u32 $0x7800, v28;
	v28 =	vor.u32 v13, v29;
	[tilespmem:s23+$0xFFFFFE50] =	vst v35;
	v38 =	vld.idx.msk [tilespmem:v38+s17+$0x0], $0xffff  }
0xb7: {  	v27 =	vor.u32 v18, v27;
	v23 =	vand.u32 $0x7800, v32;
	v30 =	vadd.s32 v9, v16;
	v29 =	vld.idx.msk [tilespmem:v36+s17+$0x0], $0xffff;
	[tilespmem:s24+$0xFFFFFF00] =	vst v26  }
.Ltmp1:
0xb8: {  	v32 =	vadd.s32 v9, v20;
	v26 =	vor.u32 v15, v30;
	v30 =	vor.u32 v2, v27;
	[tilespmem:s24+$0xFFFFFF80] =	vst v31;
	(pc) =	sbr.rel @p0 .LBB2_4-.Ltmp1, $4  }
0xb9: {  	v35 =	vor.u32 v12, v40;
	v31 =	vor.u32 v2, v26;
	v26 =	vor.u32 v19, v32;
	[tilespmem:s24+$0xFFFFFE80] =	vst v33;
	s24 =	smov.u32 s23  }
0xba: {  	v32 =	vadd.s32 v11, v25;
	v27 =	vor.u32 v2, v26;
	v36 =	vmul.f32 v39, v3  }
0xbb: {  	v34 =	vadd.s32 v11, v23;
	v26 =	vor.u32 v2, v28;
	v33 =	vmul.f32 v37, v3  }
0xbc: {  	s26 =	sadd.s32 $0x3, s25;
	s25 =	sadd.s32 $0x4, s25;
	v28 =	vor.u32 v10, v35;
	v35 =	vor.u32 v24, v32;
	v32 =	vmul.f32 v38, v3;
	[tilespmem:s23+$0xFFFFFFE0] =	vst v36  }
0xbd: {  	v36 =	vmov s26  }
0xbe: {  	v37 =	vshll.u32 v36, $0x8  }
0xbf: {  	v36 =	vshll.u32 v36, $0x7;
	v37 =	vand.u32 $0x7800, v37  }
0xc0: {  	v36 =	vand.u32 $0x380, v36;
	v38 =	vadd.s32 v11, v37  }
0xc1: {  	v38 =	vor.u32 v36, v38  }
0xc2: {  	v38 =	vor.u32 v10, v38  }
0xc3: {  	v34 =	vor.u32 v21, v34;
	v35 =	vor.u32 v10, v35  }
0xc4: {  	v34 =	vor.u32 v10, v34  }
0xc5: {  	[tilespmem:s23+$0xFFFFFEE0] =	vst v33;
	v17 =	vadd.s32 v5, v17  }
0xc6: {  	v30 =	vld.idx.msk [tilespmem:v30+s17+$0x0], $0xffff;
	v29 =	vmul.f32 v29, v3;
	v16 =	vadd.s32 v5, v16;
	v50 =	vadd.s32 v8, v25  }
0xc7: {  	v51 =	vadd.s32 v8, v23;
	v52 =	vadd.s32 v8, v14;
	v17 =	vor.u32 v18, v17;
	v18 =	vld.idx.msk [tilespmem:v38+s17+$0x0], $0xffff  }
0xc8: {  	v15 =	vor.u32 v15, v16;
	v16 =	vadd.s32 v5, v20;
	v49 =	vadd.s32 v8, v37;
	v20 =	vld.idx.msk [tilespmem:v35+s17+$0x0], $0xffff  }
0xc9: {  	v13 =	vor.u32 v13, v22;
	v16 =	vor.u32 v19, v16;
	v33 =	vor.u32 v36, v49;
	v19 =	vld.idx.msk [tilespmem:v34+s17+$0x0], $0xffff  }
0xca: {  	v28 =	vld.idx.msk [tilespmem:v28+s17+$0x0], $0xffff;
	v54 =	vadd.s32 v9, v23;
	v33 =	vor.u32 v6, v33;
	v34 =	vor.u32 v24, v50  }
0xcb: {  	v55 =	vadd.s32 v9, v14;
	v31 =	vld.idx.msk [tilespmem:v31+s17+$0x0], $0xffff;
	v35 =	vor.u32 v21, v51;
	v34 =	vor.u32 v6, v34  }
0xcc: {  	[tilespmem:s23+$0xFFFFFE60] =	vst v29;
	v29 =	vor.u32 v12, v52;
	v53 =	vor.u32 v6, v35;
	v18 =	vmul.f32 v18, v7  }
0xcd: {  	s25 =	sadd.s32 $0x200, s23;
	v23 =	vadd.s32 v5, v23;
	[tilespmem:s23+$0xFFFFFF60] =	vst v32;
	v29 =	vor.u32 v6, v29;
	v20 =	vmul.f32 v20, v7  }
0xce: {  	v14 =	vadd.s32 v5, v14;
	v27 =	vld.idx.msk [tilespmem:v27+s17+$0x0], $0xffff;
	v19 =	vmul.f32 v19, v7;
	[tilespmem:s25+$0xFFFFFFD0] =	vst v18  }
0xcf: {  	v32 =	vor.u32 v21, v54;
	[tilespmem:s25+$0xFFFFFED0] =	vst v20;
	v18 =	vmul.f32 v28, v7;
	v20 =	vld.idx.msk [tilespmem:v33+s17+$0x0], $0xffff  }
0xd0: {  	v22 =	vmul.f32 v31, v1;
	[tilespmem:s25+$0xFFFFFF50] =	vst v19;
	v19 =	vadd.s32 v9, v37;
	v28 =	vld.idx.msk [tilespmem:v34+s17+$0x0], $0xffff  }
0xd1: {  	v31 =	vadd.s32 v9, v25;
	v19 =	vor.u32 v36, v19;
	[tilespmem:s25+$0xFFFFFE50] =	vst v18;
	v18 =	vld.idx.msk [tilespmem:v53+s17+$0x0], $0xffff  }
0xd2: {  	v30 =	vmul.f32 v30, v1;
	v31 =	vor.u32 v24, v31;
	v19 =	vor.u32 v2, v19;
	v29 =	vld.idx.msk [tilespmem:v29+s17+$0x0], $0xffff  }
0xd3: {  	v13 =	vor.u32 v4, v13;
	v17 =	vor.u32 v4, v17;
	v31 =	vor.u32 v2, v31  }
0xd4: {  	v32 =	vor.u32 v2, v32;
	[tilespmem:s23+$0xFFFFFFF0] =	vst v30;
	v30 =	vor.u32 v12, v55;
	v20 =	vmul.f32 v20, v3  }
0xd5: {  	v26 =	vld.idx.msk [tilespmem:v26+s17+$0x0], $0xffff;
	[tilespmem:s23+$0xFFFFFEF0] =	vst v22;
	v22 =	vor.u32 v2, v30;
	v28 =	vmul.f32 v28, v3  }
0xd6: {  	v15 =	vor.u32 v4, v15;
	v16 =	vor.u32 v4, v16;
	v18 =	vmul.f32 v18, v3;
	[tilespmem:s25+$0xFFFFFFE0] =	vst v20  }
0xd7: {  	[tilespmem:s25+$0xFFFFFEE0] =	vst v28;
	v20 =	vmul.f32 v27, v1;
	v27 =	vmul.f32 v29, v3;
	v19 =	vld.idx.msk [tilespmem:v19+s17+$0x0], $0xffff  }
0xd8: {  	v21 =	vor.u32 v21, v23;
	v28 =	vld.idx.msk [tilespmem:v31+s17+$0x0], $0xffff;
	[tilespmem:s25+$0xFFFFFF60] =	vst v18;
	v18 =	vadd.s32 v5, v37  }
0xd9: {  	v25 =	vadd.s32 v5, v25;
	[tilespmem:s25+$0xFFFFFE60] =	vst v27;
	v27 =	vld.idx.msk [tilespmem:v32+s17+$0x0], $0xffff;
	v18 =	vor.u32 v36, v18  }
0xda: {  	v24 =	vor.u32 v24, v25;
	v26 =	vmul.f32 v26, v1;
	v22 =	vld.idx.msk [tilespmem:v22+s17+$0x0], $0xffff;
	v18 =	vor.u32 v4, v18  }
0xdb: {  	v12 =	vor.u32 v12, v14;
	v17 =	vld.idx.msk [tilespmem:v17+s17+$0x0], $0xffff;
	[tilespmem:s23+$0xFFFFFF70] =	vst v20;
	v20 =	vor.u32 v4, v24  }
0xdc: {  	v14 =	vor.u32 v4, v21;
	v15 =	vld.idx.msk [tilespmem:v15+s17+$0x0], $0xffff;
	[tilespmem:s23+$0xFFFFFE70] =	vst v26;
	v19 =	vmul.f32 v19, v1  }
0xdd: {  	v12 =	vor.u32 v4, v12;
	v13 =	vld.idx.msk [tilespmem:v13+s17+$0x0], $0xffff;
	v21 =	vmul.f32 v28, v1  }
0xde: {  	v16 =	vld.idx.msk [tilespmem:v16+s17+$0x0], $0xffff;
	v23 =	vmul.f32 v27, v1;
	[tilespmem:s25+$0xFFFFFFF0] =	vst v19  }
0xdf: {  	[tilespmem:s25+$0xFFFFFEF0] =	vst v21;
	v19 =	vmul.f32 v22, v1;
	v18 =	vld.idx.msk [tilespmem:v18+s17+$0x0], $0xffff  }
0xe0: {  	v17 =	vmul.f32 v17, v0;
	v20 =	vld.idx.msk [tilespmem:v20+s17+$0x0], $0xffff;
	[tilespmem:s25+$0xFFFFFF70] =	vst v23  }
0xe1: {  	v15 =	vmul.f32 v15, v0;
	[tilespmem:s25+$0xFFFFFE70] =	vst v19;
	v14 =	vld.idx.msk [tilespmem:v14+s17+$0x0], $0xffff  }
0xe2: {  	[tilespmem:s24+$0x0] =	vst v17;
	v13 =	vmul.f32 v13, v0;
	v12 =	vld.idx.msk [tilespmem:v12+s17+$0x0], $0xffff  }
0xe3: {  	[tilespmem:s24+$0xFFFFFF00] =	vst v15;
	v16 =	vmul.f32 v16, v0  }
0xe4: {  	s29 =	simm.s32 $0x0;
	[tilespmem:s24+$0xFFFFFE80] =	vst v13;
	v15 =	vmul.f32 v18, v0  }
0xe5: {  	s28 =	simm.s32 $0x3;
	[tilespmem:s24+$0xFFFFFF80] =	vst v16;
	v16 =	vmov s29;
	v13 =	vmul.f32 v20, v0  }
0xe6: {  	v22 =	vmov s28;
	v14 =	vmul.f32 v14, v0;
	[tilespmem:s25+$0x0] =	vst v15;
	v15 =	vshll.u32 v16, $0x7  }
0xe7: {  	s30 =	simm.s32 $0x1;
	s31 =	simm.s32 $0x2;
	[tilespmem:s25+$0xFFFFFF00] =	vst v13;
	v12 =	vmul.f32 v12, v0;
	v16 =	vshll.u32 v16, $0x8;
	v13 =	vand.u32 $0x200, v15  }
0xe8: {  	v15 =	vmov s30;
	[tilespmem:s25+$0xFFFFFF80] =	vst v14;
	v14 =	vmov s31;
	v21 =	vand.u32 $0x7800, v16  }
0xe9: {  	v16 =	vshll.u32 v15, $0x7;
	[tilespmem:s25+$0xFFFFFE80] =	vst v12;
	v12 =	vshll.u32 v14, $0x7;
	v17 =	vshll.u32 v15, $0x8  }
0xea: {  	v14 =	vshll.u32 v14, $0x8;
	v18 =	vadd.s32 v11, v21;
	v15 =	vand.u32 $0x280, v16  }
0xeb: {  	[hbm4b:s9+s29] =	stream.linear.scatter [tilespmem:s20], [sflag:$0x2], $0x4000, $0x38;
	v19 =	vand.u32 $0x300, v12;
	v16 =	vand.u32 $0x7800, v17;
	v12 =	vshll.u32 v22, $0x8;
	[tilespmem:$0x18100] =	vst v63  }
0xec: {  	v20 =	vand.u32 $0x7800, v14;
	v17 =	vand.u32 $0x7800, v12;
	v12 =	vshll.u32 v22, $0x7  }
0xed: {  	v14 =	vor.u32 v13, v18;
	[tilespmem:s17], [sflag:$0x1] =	stream.linear.gather [hbm4b:s10+s29], $0x8000, $0x38;
	v22 =	vadd.s32 v11, v17;
	v18 =	vand.u32 $0x380, v12;
	[tilespmem:$0x18100] =	vst v63  }
0xee: {  	v12 =	vadd.s32 v11, v16;
	_ =	swait.ge [sflag:s18], $0x8000;
	v22 =	vor.u32 v18, v22  }
0xef: {  	v23 =	vadd.s32 v11, v20;
	v12 =	vor.u32 v15, v12;
	[sflag:s18] =	ssyncset.done $0x0;
	v22 =	vor.u32 v10, v22  }
0xf0: {  	v23 =	vor.u32 v19, v23;
	v24 =	vor.u32 v10, v12;
	[sflag:s18] =	ssyncadd.s32 $0xFFFF8000  }
0xf1: {  	s31 =	simm.s32 $0x6;
	v23 =	vor.u32 v10, v23;
	_ =	swait.ge [sflag:s21], $0x4000  }
0xf2: {  	v27 =	vmov s31;
	v58 =	vadd.s32 v8, v21;
	v14 =	vor.u32 v10, v14;
	[sflag:s21] =	ssyncset.done $0x0  }
0xf3: {  	v59 =	vadd.s32 v9, v21;
	v30 =	vshll.u32 v27, $0x7;
	v34 =	vor.u32 v13, v58;
	[sflag:s21] =	ssyncadd.s32 $0xFFFFC000  }
0xf4: {  	v27 =	vshll.u32 v27, $0x8;
	v35 =	vor.u32 v13, v59;
	v56 =	vadd.s32 v8, v16;
	v28 =	vld.idx.msk [tilespmem:v22+s16+$0x0], $0xffff  }
0xf5: {  	v57 =	vadd.s32 v8, v20;
	v34 =	vor.u32 v6, v34;
	v31 =	vadd.s32 v8, v17;
	v24 =	vld.idx.msk [tilespmem:v24+s16+$0x0], $0xffff  }
0xf6: {  	v61 =	vadd.s32 v9, v20;
	s29 =	simm.s32 $0x4;
	v32 =	vor.u32 v15, v56;
	v31 =	vor.u32 v18, v31;
	v23 =	vld.idx.msk [tilespmem:v23+s16+$0x0], $0xffff  }
0xf7: {  	v33 =	vor.u32 v19, v57;
	v12 =	vmov s29;
	v31 =	vor.u32 v6, v31;
	v26 =	vld.idx.msk [tilespmem:v14+s16+$0x0], $0xffff  }
0xf8: {  	v32 =	vor.u32 v6, v32;
	v33 =	vor.u32 v6, v33;
	v25 =	vshll.u32 v12, $0x7  }
0xf9: {  	s30 =	simm.s32 $0x5;
	v14 =	vshll.u32 v12, $0x8;
	v12 =	vand.u32 $0x200, v25;
	v28 =	vmul.f32 v28, v7  }
0xfa: {  	s23 =	simm.s32 $0x10200;
	v25 =	vmov s30;
	v22 =	vadd.s32 v5, v21;
	v24 =	vmul.f32 v24, v7  }
0xfb: {  	v21 =	vand.u32 $0x300, v30;
	v14 =	vand.u32 $0x7800, v14;
	v23 =	vmul.f32 v23, v7;
	[tilespmem:s23+$0x80] =	vst v28  }
0xfc: {  	v29 =	vshll.u32 v25, $0x7;
	v25 =	vshll.u32 v25, $0x8;
	v26 =	vmul.f32 v26, v7;
	[tilespmem:s23+$0xFFFFFF80] =	vst v24;
	v28 =	vld.idx.msk [tilespmem:v31+s16+$0x0], $0xffff  }
0xfd: {  	v25 =	vand.u32 $0x7800, v25;
	v24 =	vand.u32 $0x280, v29;
	[tilespmem:s23+$0x0] =	vst v23;
	v29 =	vadd.s32 v9, v17;
	v32 =	vld.idx.msk [tilespmem:v32+s16+$0x0], $0xffff  }
0xfe: {  	v23 =	vand.u32 $0x7800, v27;
	v27 =	vadd.s32 v9, v16;
	[tilespmem:s23+$0xFFFFFF00] =	vst v26;
	v60 =	vld.idx.msk [tilespmem:v33+s16+$0x0], $0xffff;
	v29 =	vor.u32 v18, v29  }
0xff: {  	v31 =	vadd.s32 v11, v14;
	v27 =	vor.u32 v15, v27;
	v30 =	vor.u32 v2, v29;
	v29 =	vld.idx.msk [tilespmem:v34+s16+$0x0], $0xffff  }
0x100: {  	v62 =	vor.u32 v12, v31;
	v31 =	vor.u32 v2, v27;
	v27 =	vor.u32 v19, v61  }
0x101: {  	v63 =	vadd.s32 v11, v25;
	v27 =	vor.u32 v2, v27;
	v39 =	vmul.f32 v28, v3  }
0x102: {  	v26 =	vor.u32 v2, v35;
	v35 =	vor.u32 v24, v63;
	v33 =	vmul.f32 v32, v3  }
0x103: {  	s26 =	simm.s32 $0x7;
	s24 =	simm.s32 $0x10200;
	s25 =	simm.s32 $0x8;
	v34 =	vadd.s32 v11, v23;
	v28 =	vor.u32 v10, v62;
	v32 =	vmul.f32 v60, v3;
	[tilespmem:s23+$0x90] =	vst v39  }
.LBB2_6:
0x104: {  	p0 =	slt.u32 s25, $0x7C;
	v34 =	vor.u32 v21, v34;
	v36 =	vmov s26;
	v29 =	vmul.f32 v29, v3;
	[tilespmem:s23+$0xFFFFFF90] =	vst v33;
	v30 =	vld.idx.msk [tilespmem:v30+s16+$0x0], $0xffff  }
0x105: {  	v33 =	vor.u32 v10, v35;
	v34 =	vor.u32 v10, v34;
	v35 =	vshll.u32 v36, $0x8;
	v31 =	vld.idx.msk [tilespmem:v31+s16+$0x0], $0xffff;
	[tilespmem:s23+$0x10] =	vst v32  }
0x106: {  	v32 =	vshll.u32 v36, $0x7;
	[tilespmem:s23+$0xFFFFFF10] =	vst v29;
	v27 =	vld.idx.msk [tilespmem:v27+s16+$0x0], $0xffff;
	v29 =	vadd.s32 v5, v17;
	v17 =	vand.u32 $0x7800, v35  }
0x107: {  	v35 =	vadd.s32 v11, v17;
	v26 =	vld.idx.msk [tilespmem:v26+s16+$0x0], $0xffff;
	v29 =	vor.u32 v18, v29;
	v18 =	vand.u32 $0x380, v32  }
0x108: {  	v32 =	vor.u32 v18, v35;
	v35 =	vadd.s32 v5, v16;
	v29 =	vor.u32 v4, v29;
	v16 =	vmovc v25  }
0x109: {  	v20 =	vadd.s32 v5, v20;
	v25 =	vor.u32 v10, v32;
	v32 =	vor.u32 v15, v35;
	v15 =	vmovc v24  }
0x10a: {  	v19 =	vor.u32 v19, v20;
	v20 =	vmul.f32 v30, v1;
	v24 =	vld.idx.msk [tilespmem:v28+s16+$0x0], $0xffff;
	v28 =	vor.u32 v4, v32  }
0x10b: {  	v35 =	vor.u32 v13, v22;
	v22 =	vmul.f32 v31, v1;
	v31 =	vor.u32 v4, v19;
	v30 =	vld.idx.msk [tilespmem:v33+s16+$0x0], $0xffff  }
0x10c: {  	v36 =	vmov s25;
	v13 =	vmovc v12;
	v33 =	vor.u32 v4, v35;
	v27 =	vmul.f32 v27, v1;
	v32 =	vld.idx.msk [tilespmem:v34+s16+$0x0], $0xffff;
	[tilespmem:s23+$0xA0] =	vst v20  }
0x10d: {  	s26 =	sadd.s32 $0x1, s25;
	s28 =	sadd.s32 $0x2, s25;
	v12 =	vshll.u32 v36, $0x7;
	v19 =	vmovc v21;
	v34 =	vshll.u32 v36, $0x8;
	v26 =	vmul.f32 v26, v1;
	[tilespmem:s23+$0xFFFFFFA0] =	vst v22;
	v29 =	vld.idx.msk [tilespmem:v29+s16+$0x0], $0xffff  }
0x10e: {  	v12 =	vand.u32 $0x200, v12;
	v21 =	vmov s26;
	v35 =	vmov s28;
	v20 =	vmovc v23;
	v25 =	vld.idx.msk [tilespmem:v25+s16+$0x0], $0xffff;
	[tilespmem:s23+$0x20] =	vst v27  }
0x10f: {  	v23 =	vand.u32 $0x7800, v34;
	v34 =	vshll.u32 v35, $0x7;
	v27 =	vshll.u32 v21, $0x7;
	[tilespmem:s23+$0xFFFFFF20] =	vst v26;
	v26 =	vld.idx.msk [tilespmem:v28+s16+$0x0], $0xffff  }
0x110: {  	v22 =	vadd.s32 v5, v14;
	v28 =	vshll.u32 v21, $0x8;
	v21 =	vadd.s32 v8, v17;
	v31 =	vld.idx.msk [tilespmem:v31+s16+$0x0], $0xffff  }
0x111: {  	v37 =	vadd.s32 v8, v16;
	v36 =	vadd.s32 v8, v14;
	v21 =	vor.u32 v18, v21;
	v33 =	vld.idx.msk [tilespmem:v33+s16+$0x0], $0xffff  }
0x112: {  	v37 =	vor.u32 v15, v37;
	v38 =	vadd.s32 v8, v20;
	v21 =	vor.u32 v6, v21  }
0x113: {  	v37 =	vor.u32 v6, v37;
	v38 =	vor.u32 v19, v38;
	v29 =	vmul.f32 v29, v0  }
0x114: {  	v36 =	vor.u32 v13, v36;
	v38 =	vor.u32 v6, v38;
	v25 =	vmul.f32 v25, v7  }
0x115: {  	v36 =	vor.u32 v6, v36;
	s23 =	sadd.s32 $0x200, s23;
	v30 =	vmul.f32 v30, v7;
	v26 =	vmul.f32 v26, v0;
	[tilespmem:s24+$0xB0] =	vst v29  }
0x116: {  	v41 =	vmul.f32 v32, v7;
	v29 =	vadd.s32 v9, v14;
	v31 =	vmul.f32 v31, v0;
	[tilespmem:s23+$0x80] =	vst v25  }
0x117: {  	v32 =	vshll.u32 v35, $0x8;
	v35 =	vmul.f32 v24, v7;
	v33 =	vmul.f32 v33, v0;
	[tilespmem:s23+$0xFFFFFF80] =	vst v30;
	v39 =	vld.idx.msk [tilespmem:v21+s16+$0x0], $0xffff  }
0x118: {  	v40 =	vadd.s32 v11, v23;
	v24 =	vand.u32 $0x280, v27;
	v14 =	vmovc v23;
	v21 =	vand.u32 $0x300, v34;
	v37 =	vld.idx.msk [tilespmem:v37+s16+$0x0], $0xffff;
	[tilespmem:s23+$0x0] =	vst v41  }
0x119: {  	v27 =	vadd.s32 v9, v17;
	v25 =	vand.u32 $0x7800, v28;
	v28 =	vor.u32 v13, v29;
	[tilespmem:s23+$0xFFFFFF00] =	vst v35;
	v38 =	vld.idx.msk [tilespmem:v38+s16+$0x0], $0xffff  }
0x11a: {  	v27 =	vor.u32 v18, v27;
	v23 =	vand.u32 $0x7800, v32;
	v30 =	vadd.s32 v9, v16;
	v29 =	vld.idx.msk [tilespmem:v36+s16+$0x0], $0xffff;
	[tilespmem:s24+$0xFFFFFFB0] =	vst v26  }
.Ltmp2:
0x11b: {  	v32 =	vadd.s32 v9, v20;
	v26 =	vor.u32 v15, v30;
	v30 =	vor.u32 v2, v27;
	[tilespmem:s24+$0x30] =	vst v31;
	(pc) =	sbr.rel @p0 .LBB2_6-.Ltmp2, $4  }
0x11c: {  	v35 =	vor.u32 v12, v40;
	v31 =	vor.u32 v2, v26;
	v26 =	vor.u32 v19, v32;
	[tilespmem:s24+$0xFFFFFF30] =	vst v33;
	s24 =	smov.u32 s23  }
0x11d: {  	v32 =	vadd.s32 v11, v25;
	v27 =	vor.u32 v2, v26;
	v36 =	vmul.f32 v39, v3  }
0x11e: {  	v34 =	vadd.s32 v11, v23;
	v26 =	vor.u32 v2, v28;
	v33 =	vmul.f32 v37, v3  }
0x11f: {  	s26 =	sadd.s32 $0x3, s25;
	s25 =	sadd.s32 $0x4, s25;
	v28 =	vor.u32 v10, v35;
	v35 =	vor.u32 v24, v32;
	v32 =	vmul.f32 v38, v3;
	[tilespmem:s23+$0x90] =	vst v36  }
0x120: {  	v36 =	vmov s26  }
0x121: {  	v37 =	vshll.u32 v36, $0x8  }
0x122: {  	v36 =	vshll.u32 v36, $0x7;
	v37 =	vand.u32 $0x7800, v37  }
0x123: {  	v36 =	vand.u32 $0x380, v36;
	v38 =	vadd.s32 v11, v37  }
0x124: {  	v35 =	vor.u32 v10, v35;
	v38 =	vor.u32 v36, v38  }
0x125: {  	v34 =	vor.u32 v21, v34;
	v38 =	vor.u32 v10, v38  }
0x126: {  	v34 =	vor.u32 v10, v34  }
0x127: {  	[tilespmem:s23+$0xFFFFFF90] =	vst v33;
	v17 =	vadd.s32 v5, v17  }
0x128: {  	v30 =	vld.idx.msk [tilespmem:v30+s16+$0x0], $0xffff;
	v29 =	vmul.f32 v29, v3;
	v16 =	vadd.s32 v5, v16;
	v50 =	vadd.s32 v8, v25  }
0x129: {  	v51 =	vadd.s32 v8, v23;
	v15 =	vor.u32 v15, v16;
	v16 =	vadd.s32 v5, v20;
	v20 =	vld.idx.msk [tilespmem:v35+s16+$0x0], $0xffff  }
0x12a: {  	v52 =	vadd.s32 v8, v14;
	v13 =	vor.u32 v13, v22;
	v17 =	vor.u32 v18, v17;
	v18 =	vld.idx.msk [tilespmem:v38+s16+$0x0], $0xffff  }
0x12b: {  	v16 =	vor.u32 v19, v16;
	v49 =	vadd.s32 v8, v37;
	v19 =	vld.idx.msk [tilespmem:v34+s16+$0x0], $0xffff;
	v34 =	vor.u32 v24, v50  }
0x12c: {  	v28 =	vld.idx.msk [tilespmem:v28+s16+$0x0], $0xffff;
	v54 =	vadd.s32 v9, v23;
	v33 =	vor.u32 v36, v49;
	v34 =	vor.u32 v6, v34  }
0x12d: {  	v55 =	vadd.s32 v9, v14;
	v31 =	vld.idx.msk [tilespmem:v31+s16+$0x0], $0xffff;
	v33 =	vor.u32 v6, v33;
	v35 =	vor.u32 v21, v51  }
0x12e: {  	[tilespmem:s23+$0xFFFFFF10] =	vst v29;
	v29 =	vor.u32 v12, v52;
	v53 =	vor.u32 v6, v35;
	v20 =	vmul.f32 v20, v7  }
0x12f: {  	s25 =	sadd.s32 $0x200, s23;
	v23 =	vadd.s32 v5, v23;
	[tilespmem:s23+$0x10] =	vst v32;
	v29 =	vor.u32 v6, v29;
	v18 =	vmul.f32 v18, v7  }
0x130: {  	v14 =	vadd.s32 v5, v14;
	v27 =	vld.idx.msk [tilespmem:v27+s16+$0x0], $0xffff;
	v19 =	vmul.f32 v19, v7;
	[tilespmem:s25+$0xFFFFFF80] =	vst v20  }
0x131: {  	v32 =	vor.u32 v21, v54;
	[tilespmem:s25+$0x80] =	vst v18;
	v18 =	vmul.f32 v28, v7;
	v28 =	vld.idx.msk [tilespmem:v34+s16+$0x0], $0xffff  }
0x132: {  	v22 =	vmul.f32 v31, v1;
	v31 =	vadd.s32 v9, v25;
	[tilespmem:s25+$0x0] =	vst v19;
	v20 =	vld.idx.msk [tilespmem:v33+s16+$0x0], $0xffff  }
0x133: {  	v31 =	vor.u32 v24, v31;
	v19 =	vadd.s32 v9, v37;
	[tilespmem:s25+$0xFFFFFF00] =	vst v18;
	v18 =	vld.idx.msk [tilespmem:v53+s16+$0x0], $0xffff  }
0x134: {  	v30 =	vmul.f32 v30, v1;
	v31 =	vor.u32 v2, v31;
	v19 =	vor.u32 v36, v19;
	v29 =	vld.idx.msk [tilespmem:v29+s16+$0x0], $0xffff  }
0x135: {  	v13 =	vor.u32 v4, v13;
	v32 =	vor.u32 v2, v32;
	v19 =	vor.u32 v2, v19  }
0x136: {  	v26 =	vld.idx.msk [tilespmem:v26+s16+$0x0], $0xffff;
	[tilespmem:s23+$0xA0] =	vst v30;
	v30 =	vor.u32 v12, v55;
	v28 =	vmul.f32 v28, v3  }
0x137: {  	v17 =	vor.u32 v4, v17;
	[tilespmem:s23+$0xFFFFFFA0] =	vst v22;
	v22 =	vor.u32 v2, v30;
	v20 =	vmul.f32 v20, v3  }
0x138: {  	v15 =	vor.u32 v4, v15;
	v25 =	vadd.s32 v5, v25;
	v18 =	vmul.f32 v18, v3;
	[tilespmem:s25+$0xFFFFFF90] =	vst v28  }
0x139: {  	[tilespmem:s25+$0x90] =	vst v20;
	v20 =	vmul.f32 v27, v1;
	v27 =	vmul.f32 v29, v3;
	v28 =	vld.idx.msk [tilespmem:v31+s16+$0x0], $0xffff  }
0x13a: {  	v16 =	vor.u32 v4, v16;
	v24 =	vor.u32 v24, v25;
	v19 =	vld.idx.msk [tilespmem:v19+s16+$0x0], $0xffff;
	[tilespmem:s25+$0x10] =	vst v18  }
0x13b: {  	v26 =	vmul.f32 v26, v1;
	v18 =	vadd.s32 v5, v37;
	[tilespmem:s25+$0xFFFFFF10] =	vst v27;
	v27 =	vld.idx.msk [tilespmem:v32+s16+$0x0], $0xffff  }
0x13c: {  	v18 =	vor.u32 v36, v18;
	[tilespmem:s23+$0x20] =	vst v20;
	v20 =	vor.u32 v4, v24;
	v22 =	vld.idx.msk [tilespmem:v22+s16+$0x0], $0xffff  }
0x13d: {  	v21 =	vor.u32 v21, v23;
	v12 =	vor.u32 v12, v14;
	v17 =	vld.idx.msk [tilespmem:v17+s16+$0x0], $0xffff;
	v18 =	vor.u32 v4, v18  }
0x13e: {  	v14 =	vor.u32 v4, v21;
	v15 =	vld.idx.msk [tilespmem:v15+s16+$0x0], $0xffff;
	[tilespmem:s23+$0xFFFFFF20] =	vst v26;
	v21 =	vmul.f32 v28, v1  }
0x13f: {  	v12 =	vor.u32 v4, v12;
	v13 =	vld.idx.msk [tilespmem:v13+s16+$0x0], $0xffff;
	v19 =	vmul.f32 v19, v1  }
0x140: {  	v16 =	vld.idx.msk [tilespmem:v16+s16+$0x0], $0xffff;
	v23 =	vmul.f32 v27, v1;
	[tilespmem:s25+$0xFFFFFFA0] =	vst v21  }
0x141: {  	[tilespmem:s25+$0xA0] =	vst v19;
	v19 =	vmul.f32 v22, v1;
	v20 =	vld.idx.msk [tilespmem:v20+s16+$0x0], $0xffff  }
0x142: {  	v18 =	vld.idx.msk [tilespmem:v18+s16+$0x0], $0xffff;
	[tilespmem:s25+$0x20] =	vst v23  }
0x143: {  	[tilespmem:s25+$0xFFFFFF20] =	vst v19;
	v14 =	vld.idx.msk [tilespmem:v14+s16+$0x0], $0xffff  }
0x144: {  	v17 =	vmul.f32 v17, v0;
	v12 =	vld.idx.msk [tilespmem:v12+s16+$0x0], $0xffff  }
0x145: {  	v15 =	vmul.f32 v15, v0  }
0x146: {  	s29 =	simm.s32 $0x0;
	s28 =	simm.s32 $0x3;
	[tilespmem:s24+$0xB0] =	vst v17;
	v13 =	vmul.f32 v13, v0;
	v16 =	vmul.f32 v16, v0  }
0x147: {  	[tilespmem:s24+$0xFFFFFFB0] =	vst v15;
	v22 =	vmov s28;
	v15 =	vmul.f32 v18, v0;
	v18 =	vmov s29  }
0x148: {  	[tilespmem:s24+$0x30] =	vst v16;
	v17 =	vmul.f32 v20, v0;
	v14 =	vmul.f32 v14, v0;
	v16 =	vshll.u32 v18, $0x7  }
0x149: {  	s30 =	simm.s32 $0x1;
	s31 =	simm.s32 $0x2;
	[tilespmem:s24+$0xFFFFFF30] =	vst v13;
	v18 =	vshll.u32 v18, $0x8;
	v12 =	vmul.f32 v12, v0;
	v13 =	vand.u32 $0x200, v16  }
0x14a: {  	v16 =	vmov s30;
	[tilespmem:s25+$0xB0] =	vst v15;
	v15 =	vmov s31;
	v21 =	vand.u32 $0x7800, v18  }
0x14b: {  	[tilespmem:s25+$0xFFFFFFB0] =	vst v17;
	v18 =	vshll.u32 v16, $0x7;
	v17 =	vshll.u32 v15, $0x7;
	v19 =	vshll.u32 v16, $0x8  }
0x14c: {  	v20 =	vshll.u32 v15, $0x8;
	v16 =	vand.u32 $0x280, v18;
	[tilespmem:s25+$0xFFFFFF30] =	vst v12;
	v12 =	vshll.u32 v22, $0x8  }
0x14d: {  	[tilespmem:s25+$0x30] =	vst v14;
	v15 =	vand.u32 $0x300, v17;
	v18 =	vand.u32 $0x7800, v12;
	v12 =	vshll.u32 v22, $0x7  }
0x14e: {  	v17 =	vand.u32 $0x7800, v19;
	[hbm4b:s11+s29] =	stream.linear.scatter [tilespmem:s19], [sflag:$0x2], $0x4000, $0x38;
	v22 =	vadd.s32 v11, v18;
	v19 =	vand.u32 $0x380, v12;
	[tilespmem:$0x18100] =	vst v63  }
0x14f: {  	v20 =	vand.u32 $0x7800, v20;
	_ =	swait.ge [sflag:s18], $0x8000;
	v12 =	vadd.s32 v11, v17;
	v22 =	vor.u32 v19, v22  }
0x150: {  	v23 =	vadd.s32 v11, v20;
	[sflag:s18] =	ssyncset.done $0x0;
	v12 =	vor.u32 v16, v12;
	v22 =	vor.u32 v10, v22  }
0x151: {  	v14 =	vadd.s32 v11, v21;
	v23 =	vor.u32 v15, v23;
	[sflag:s18] =	ssyncadd.s32 $0xFFFF8000;
	v24 =	vor.u32 v10, v12  }
0x152: {  	s31 =	simm.s32 $0x6;
	v14 =	vor.u32 v13, v14;
	v23 =	vor.u32 v10, v23;
	_ =	swait.ge [sflag:s21], $0x4000  }
0x153: {  	v27 =	vmov s31;
	v58 =	vadd.s32 v8, v21;
	v14 =	vor.u32 v10, v14;
	[sflag:s21] =	ssyncset.done $0x0  }
0x154: {  	v59 =	vadd.s32 v9, v21;
	v30 =	vshll.u32 v27, $0x7;
	v34 =	vor.u32 v13, v58;
	[sflag:s21] =	ssyncadd.s32 $0xFFFFC000  }
0x155: {  	v27 =	vshll.u32 v27, $0x8;
	v35 =	vor.u32 v13, v59;
	v56 =	vadd.s32 v8, v17;
	v28 =	vld.idx.msk [tilespmem:v22+s17+$0x0], $0xffff  }
0x156: {  	v57 =	vadd.s32 v8, v20;
	v34 =	vor.u32 v6, v34;
	v31 =	vadd.s32 v8, v18;
	v24 =	vld.idx.msk [tilespmem:v24+s17+$0x0], $0xffff  }
0x157: {  	s29 =	simm.s32 $0x4;
	v61 =	vadd.s32 v9, v20;
	v32 =	vor.u32 v16, v56;
	v31 =	vor.u32 v19, v31;
	v23 =	vld.idx.msk [tilespmem:v23+s17+$0x0], $0xffff  }
0x158: {  	v33 =	vor.u32 v15, v57;
	v12 =	vmov s29;
	v31 =	vor.u32 v6, v31;
	v26 =	vld.idx.msk [tilespmem:v14+s17+$0x0], $0xffff  }
0x159: {  	v32 =	vor.u32 v6, v32;
	v33 =	vor.u32 v6, v33;
	v25 =	vshll.u32 v12, $0x7  }
0x15a: {  	s30 =	simm.s32 $0x5;
	v14 =	vshll.u32 v12, $0x8;
	v12 =	vand.u32 $0x200, v25;
	v28 =	vmul.f32 v28, v7  }
0x15b: {  	s23 =	simm.s32 $0x142B0;
	v25 =	vmov s30;
	v14 =	vand.u32 $0x7800, v14;
	v24 =	vmul.f32 v24, v7  }
0x15c: {  	v29 =	vshll.u32 v25, $0x7;
	v25 =	vshll.u32 v25, $0x8;
	v23 =	vmul.f32 v23, v7;
	[tilespmem:s23+$0xFFFFFFD0] =	vst v28  }
0x15d: {  	v22 =	vadd.s32 v5, v21;
	v21 =	vand.u32 $0x300, v30;
	v26 =	vmul.f32 v26, v7;
	[tilespmem:s23+$0xFFFFFED0] =	vst v24;
	v28 =	vld.idx.msk [tilespmem:v31+s17+$0x0], $0xffff  }
0x15e: {  	v25 =	vand.u32 $0x7800, v25;
	[tilespmem:s23+$0xFFFFFF50] =	vst v23;
	v24 =	vand.u32 $0x280, v29;
	v29 =	vadd.s32 v9, v18;
	v32 =	vld.idx.msk [tilespmem:v32+s17+$0x0], $0xffff  }
0x15f: {  	v23 =	vand.u32 $0x7800, v27;
	v27 =	vadd.s32 v9, v17;
	[tilespmem:s23+$0xFFFFFE50] =	vst v26;
	v60 =	vld.idx.msk [tilespmem:v33+s17+$0x0], $0xffff;
	v29 =	vor.u32 v19, v29  }
0x160: {  	v27 =	vor.u32 v16, v27;
	v31 =	vadd.s32 v11, v14;
	v30 =	vor.u32 v2, v29;
	v29 =	vld.idx.msk [tilespmem:v34+s17+$0x0], $0xffff  }
0x161: {  	v62 =	vor.u32 v12, v31;
	v31 =	vor.u32 v2, v27;
	v27 =	vor.u32 v15, v61  }
0x162: {  	v63 =	vadd.s32 v11, v25;
	v27 =	vor.u32 v2, v27;
	v39 =	vmul.f32 v28, v3  }
0x163: {  	v26 =	vor.u32 v2, v35;
	v35 =	vor.u32 v24, v63;
	v33 =	vmul.f32 v32, v3  }
0x164: {  	s26 =	simm.s32 $0x7;
	s24 =	simm.s32 $0x142B0;
	s25 =	simm.s32 $0x8;
	v34 =	vadd.s32 v11, v23;
	v28 =	vor.u32 v10, v62;
	v32 =	vmul.f32 v60, v3;
	[tilespmem:s23+$0xFFFFFFE0] =	vst v39  }
.LBB2_8:
0x165: {  	p0 =	slt.u32 s25, $0x7C;
	v34 =	vor.u32 v21, v34;
	v36 =	vmov s26;
	v29 =	vmul.f32 v29, v3;
	[tilespmem:s23+$0xFFFFFEE0] =	vst v33;
	v30 =	vld.idx.msk [tilespmem:v30+s17+$0x0], $0xffff  }
0x166: {  	v33 =	vor.u32 v10, v35;
	v34 =	vor.u32 v10, v34;
	v35 =	vshll.u32 v36, $0x8;
	v31 =	vld.idx.msk [tilespmem:v31+s17+$0x0], $0xffff;
	[tilespmem:s23+$0xFFFFFF60] =	vst v32  }
0x167: {  	v32 =	vshll.u32 v36, $0x7;
	[tilespmem:s23+$0xFFFFFE60] =	vst v29;
	v27 =	vld.idx.msk [tilespmem:v27+s17+$0x0], $0xffff;
	v29 =	vadd.s32 v5, v18;
	v18 =	vand.u32 $0x7800, v35  }
0x168: {  	v35 =	vadd.s32 v11, v18;
	v26 =	vld.idx.msk [tilespmem:v26+s17+$0x0], $0xffff;
	v29 =	vor.u32 v19, v29;
	v19 =	vand.u32 $0x380, v32  }
0x169: {  	v32 =	vor.u32 v19, v35;
	v35 =	vadd.s32 v5, v17;
	v29 =	vor.u32 v4, v29;
	v17 =	vmovc v25  }
0x16a: {  	v20 =	vadd.s32 v5, v20;
	v25 =	vor.u32 v10, v32;
	v32 =	vor.u32 v16, v35;
	v16 =	vmovc v24  }
0x16b: {  	v15 =	vor.u32 v15, v20;
	v20 =	vmul.f32 v30, v1;
	v24 =	vld.idx.msk [tilespmem:v28+s17+$0x0], $0xffff;
	v28 =	vor.u32 v4, v32  }
0x16c: {  	v35 =	vor.u32 v13, v22;
	v22 =	vmul.f32 v31, v1;
	v31 =	vor.u32 v4, v15;
	v30 =	vld.idx.msk [tilespmem:v33+s17+$0x0], $0xffff  }
0x16d: {  	v36 =	vmov s25;
	v13 =	vmovc v12;
	v33 =	vor.u32 v4, v35;
	v27 =	vmul.f32 v27, v1;
	v32 =	vld.idx.msk [tilespmem:v34+s17+$0x0], $0xffff;
	[tilespmem:s23+$0xFFFFFFF0] =	vst v20  }
0x16e: {  	s26 =	sadd.s32 $0x1, s25;
	s28 =	sadd.s32 $0x2, s25;
	v12 =	vshll.u32 v36, $0x7;
	v15 =	vmovc v21;
	v34 =	vshll.u32 v36, $0x8;
	v26 =	vmul.f32 v26, v1;
	[tilespmem:s23+$0xFFFFFEF0] =	vst v22;
	v29 =	vld.idx.msk [tilespmem:v29+s17+$0x0], $0xffff  }
0x16f: {  	v12 =	vand.u32 $0x200, v12;
	v21 =	vmov s26;
	v35 =	vmov s28;
	v20 =	vmovc v23;
	v25 =	vld.idx.msk [tilespmem:v25+s17+$0x0], $0xffff;
	[tilespmem:s23+$0xFFFFFF70] =	vst v27  }
0x170: {  	v23 =	vand.u32 $0x7800, v34;
	v34 =	vshll.u32 v35, $0x7;
	v27 =	vshll.u32 v21, $0x7;
	[tilespmem:s23+$0xFFFFFE70] =	vst v26;
	v26 =	vld.idx.msk [tilespmem:v28+s17+$0x0], $0xffff  }
0x171: {  	v22 =	vadd.s32 v5, v14;
	v28 =	vshll.u32 v21, $0x8;
	v21 =	vadd.s32 v8, v18;
	v31 =	vld.idx.msk [tilespmem:v31+s17+$0x0], $0xffff  }
0x172: {  	v37 =	vadd.s32 v8, v17;
	v36 =	vadd.s32 v8, v14;
	v21 =	vor.u32 v19, v21;
	v33 =	vld.idx.msk [tilespmem:v33+s17+$0x0], $0xffff  }
0x173: {  	v37 =	vor.u32 v16, v37;
	v38 =	vadd.s32 v8, v20;
	v21 =	vor.u32 v6, v21  }
0x174: {  	v37 =	vor.u32 v6, v37;
	v38 =	vor.u32 v15, v38;
	v29 =	vmul.f32 v29, v0  }
0x175: {  	v36 =	vor.u32 v13, v36;
	v38 =	vor.u32 v6, v38;
	v25 =	vmul.f32 v25, v7  }
0x176: {  	v36 =	vor.u32 v6, v36;
	s23 =	sadd.s32 $0x200, s23;
	v30 =	vmul.f32 v30, v7;
	v26 =	vmul.f32 v26, v0;
	[tilespmem:s24+$0x0] =	vst v29  }
0x177: {  	v41 =	vmul.f32 v32, v7;
	v29 =	vadd.s32 v9, v14;
	v31 =	vmul.f32 v31, v0;
	[tilespmem:s23+$0xFFFFFFD0] =	vst v25  }
0x178: {  	v32 =	vshll.u32 v35, $0x8;
	v35 =	vmul.f32 v24, v7;
	v33 =	vmul.f32 v33, v0;
	[tilespmem:s23+$0xFFFFFED0] =	vst v30;
	v39 =	vld.idx.msk [tilespmem:v21+s17+$0x0], $0xffff  }
0x179: {  	v40 =	vadd.s32 v11, v23;
	v24 =	vand.u32 $0x280, v27;
	v14 =	vmovc v23;
	v21 =	vand.u32 $0x300, v34;
	v37 =	vld.idx.msk [tilespmem:v37+s17+$0x0], $0xffff;
	[tilespmem:s23+$0xFFFFFF50] =	vst v41  }
0x17a: {  	v27 =	vadd.s32 v9, v18;
	v25 =	vand.u32 $0x7800, v28;
	v28 =	vor.u32 v13, v29;
	[tilespmem:s23+$0xFFFFFE50] =	vst v35;
	v38 =	vld.idx.msk [tilespmem:v38+s17+$0x0], $0xffff  }
0x17b: {  	v27 =	vor.u32 v19, v27;
	v23 =	vand.u32 $0x7800, v32;
	v30 =	vadd.s32 v9, v17;
	v29 =	vld.idx.msk [tilespmem:v36+s17+$0x0], $0xffff;
	[tilespmem:s24+$0xFFFFFF00] =	vst v26  }
.Ltmp3:
0x17c: {  	v32 =	vadd.s32 v9, v20;
	v26 =	vor.u32 v16, v30;
	v30 =	vor.u32 v2, v27;
	[tilespmem:s24+$0xFFFFFF80] =	vst v31;
	(pc) =	sbr.rel @p0 .LBB2_8-.Ltmp3, $4  }
0x17d: {  	v35 =	vor.u32 v12, v40;
	v31 =	vor.u32 v2, v26;
	v26 =	vor.u32 v15, v32;
	[tilespmem:s24+$0xFFFFFE80] =	vst v33;
	s24 =	smov.u32 s23  }
0x17e: {  	v32 =	vadd.s32 v11, v25;
	v27 =	vor.u32 v2, v26;
	v36 =	vmul.f32 v39, v3  }
0x17f: {  	v34 =	vadd.s32 v11, v23;
	v26 =	vor.u32 v2, v28;
	v33 =	vmul.f32 v37, v3  }
0x180: {  	s26 =	sadd.s32 $0x3, s25;
	s25 =	sadd.s32 $0x4, s25;
	v28 =	vor.u32 v10, v35;
	v35 =	vor.u32 v24, v32;
	v32 =	vmul.f32 v38, v3;
	[tilespmem:s23+$0xFFFFFFE0] =	vst v36  }
0x181: {  	v36 =	vmov s26  }
0x182: {  	v37 =	vshll.u32 v36, $0x8  }
0x183: {  	v34 =	vor.u32 v21, v34;
	v36 =	vshll.u32 v36, $0x7;
	v37 =	vand.u32 $0x7800, v37  }
0x184: {  	v35 =	vor.u32 v10, v35;
	v36 =	vand.u32 $0x380, v36;
	v11 =	vadd.s32 v11, v37  }
0x185: {  	v47 =	vor.u32 v10, v34;
	v11 =	vor.u32 v36, v11  }
0x186: {  	v11 =	vor.u32 v10, v11  }
0x187: {  	[tilespmem:s23+$0xFFFFFEE0] =	vst v33;
	v30 =	vld.idx.msk [tilespmem:v30+s17+$0x0], $0xffff;
	v18 =	vadd.s32 v5, v18;
	v29 =	vmul.f32 v29, v3  }
0x188: {  	v17 =	vadd.s32 v5, v17;
	v20 =	vadd.s32 v5, v20;
	v50 =	vadd.s32 v8, v25;
	v28 =	vld.idx.msk [tilespmem:v28+s17+$0x0], $0xffff  }
0x189: {  	v51 =	vadd.s32 v8, v23;
	v52 =	vadd.s32 v8, v14;
	v59 =	vor.u32 v13, v22;
	v48 =	vld.idx.msk [tilespmem:v35+s17+$0x0], $0xffff  }
0x18a: {  	v18 =	vor.u32 v19, v18;
	v49 =	vadd.s32 v8, v37;
	v8 =	vor.u32 v12, v52;
	v10 =	vld.idx.msk [tilespmem:v47+s17+$0x0], $0xffff  }
0x18b: {  	v16 =	vor.u32 v16, v17;
	v33 =	vor.u32 v24, v50;
	v56 =	vor.u32 v6, v8;
	v11 =	vld.idx.msk [tilespmem:v11+s17+$0x0], $0xffff  }
0x18c: {  	v31 =	vld.idx.msk [tilespmem:v31+s17+$0x0], $0xffff;
	v54 =	vor.u32 v21, v51;
	v15 =	vor.u32 v15, v20;
	v53 =	vor.u32 v6, v33  }
0x18d: {  	[tilespmem:s23+$0xFFFFFF60] =	vst v32;
	v55 =	vor.u32 v6, v54;
	v19 =	vor.u32 v36, v49;
	v60 =	vmul.f32 v28, v7  }
0x18e: {  	s25 =	sadd.s32 $0x200, s23;
	v32 =	vadd.s32 v9, v23;
	[tilespmem:s23+$0xFFFFFE60] =	vst v29;
	v19 =	vor.u32 v6, v19;
	v57 =	vmul.f32 v48, v7  }
0x18f: {  	v18 =	vor.u32 v4, v18;
	v33 =	vadd.s32 v9, v14;
	[tilespmem:s25+$0xFFFFFE50] =	vst v60;
	v10 =	vmul.f32 v10, v7  }
0x190: {  	v58 =	vmul.f32 v30, v1;
	v6 =	vld.idx.msk [tilespmem:v56+s17+$0x0], $0xffff;
	[tilespmem:s25+$0xFFFFFED0] =	vst v57;
	v11 =	vmul.f32 v11, v7  }
0x191: {  	v28 =	vadd.s32 v9, v37;
	v62 =	vmul.f32 v31, v1;
	v63 =	vld.idx.msk [tilespmem:v53+s17+$0x0], $0xffff;
	[tilespmem:s25+$0xFFFFFF50] =	vst v10  }
0x192: {  	v31 =	vadd.s32 v9, v25;
	v9 =	vor.u32 v12, v33;
	v30 =	vld.idx.msk [tilespmem:v55+s17+$0x0], $0xffff;
	[tilespmem:s25+$0xFFFFFFD0] =	vst v11  }
0x193: {  	v16 =	vor.u32 v4, v16;
	v20 =	vor.u32 v24, v31;
	v35 =	vor.u32 v2, v9;
	v61 =	vld.idx.msk [tilespmem:v19+s17+$0x0], $0xffff  }
0x194: {  	v27 =	vld.idx.msk [tilespmem:v27+s17+$0x0], $0xffff;
	v22 =	vor.u32 v21, v32;
	v15 =	vor.u32 v4, v15;
	v20 =	vor.u32 v2, v20  }
0x195: {  	v26 =	vld.idx.msk [tilespmem:v26+s17+$0x0], $0xffff;
	v34 =	vor.u32 v2, v22;
	v10 =	vor.u32 v36, v28;
	v41 =	vmul.f32 v6, v3  }
0x196: {  	v45 =	vadd.s32 v5, v37;
	[tilespmem:s23+$0xFFFFFFF0] =	vst v58;
	v10 =	vor.u32 v2, v10;
	v38 =	vmul.f32 v63, v3  }
0x197: {  	v49 =	vadd.s32 v5, v14;
	v39 =	vld.idx.msk [tilespmem:v18+s17+$0x0], $0xffff;
	[tilespmem:s25+$0xFFFFFE60] =	vst v41;
	v7 =	vmul.f32 v30, v3  }
0x198: {  	v47 =	vadd.s32 v5, v25;
	v2 =	vld.idx.msk [tilespmem:v35+s17+$0x0], $0xffff;
	[tilespmem:s25+$0xFFFFFEE0] =	vst v38;
	v8 =	vmul.f32 v61, v3  }
0x199: {  	v40 =	vmul.f32 v27, v1;
	v48 =	vadd.s32 v5, v23;
	v44 =	vld.idx.msk [tilespmem:v20+s17+$0x0], $0xffff;
	[tilespmem:s25+$0xFFFFFF60] =	vst v7  }
0x19a: {  	v5 =	vor.u32 v12, v49;
	v11 =	vor.u32 v4, v59;
	v46 =	vld.idx.msk [tilespmem:v34+s17+$0x0], $0xffff;
	[tilespmem:s25+$0xFFFFFFE0] =	vst v8  }
0x19b: {  	v17 =	vor.u32 v24, v47;
	[tilespmem:s23+$0xFFFFFEF0] =	vst v62;
	v54 =	vor.u32 v4, v5;
	v42 =	vld.idx.msk [tilespmem:v10+s17+$0x0], $0xffff  }
0x19c: {  	v43 =	vmul.f32 v26, v1;
	v50 =	vor.u32 v4, v17;
	[tilespmem:s23+$0xFFFFFF70] =	vst v40;
	v51 =	vor.u32 v21, v48  }
0x19d: {  	v16 =	vld.idx.msk [tilespmem:v16+s17+$0x0], $0xffff;
	v52 =	vor.u32 v4, v51;
	v7 =	vor.u32 v36, v45;
	v56 =	vmul.f32 v2, v1  }
0x19e: {  	[tilespmem:s23+$0xFFFFFE70] =	vst v43;
	v53 =	vld.idx.msk [tilespmem:v15+s17+$0x0], $0xffff;
	v7 =	vor.u32 v4, v7;
	v10 =	vmul.f32 v44, v1  }
0x19f: {  	v55 =	vld.idx.msk [tilespmem:v11+s17+$0x0], $0xffff;
	[tilespmem:s25+$0xFFFFFE70] =	vst v56;
	v3 =	vmul.f32 v46, v1  }
0x1a0: {  	v4 =	vld.idx.msk [tilespmem:v54+s17+$0x0], $0xffff;
	[tilespmem:s25+$0xFFFFFEF0] =	vst v10;
	v6 =	vmul.f32 v42, v1  }
0x1a1: {  	v58 =	vmul.f32 v39, v0;
	[tilespmem:s25+$0xFFFFFF70] =	vst v3;
	v59 =	vld.idx.msk [tilespmem:v50+s17+$0x0], $0xffff  }
0x1a2: {  	v60 =	vmul.f32 v16, v0;
	v61 =	vld.idx.msk [tilespmem:v52+s17+$0x0], $0xffff;
	[tilespmem:s25+$0xFFFFFFF0] =	vst v6  }
0x1a3: {  	[tilespmem:s24+$0x0] =	vst v58;
	v62 =	vmul.f32 v53, v0;
	v57 =	vld.idx.msk [tilespmem:v7+s17+$0x0], $0xffff  }
0x1a4: {  	[tilespmem:s24+$0xFFFFFF00] =	vst v60;
	v5 =	vmul.f32 v55, v0  }
0x1a5: {  	[tilespmem:s24+$0xFFFFFF80] =	vst v62;
	v63 =	vmul.f32 v4, v0  }
0x1a6: {  	[tilespmem:s24+$0xFFFFFE80] =	vst v5;
	v3 =	vmul.f32 v59, v0  }
0x1a7: {  	[tilespmem:s25+$0xFFFFFE80] =	vst v63;
	v1 =	vmul.f32 v61, v0  }
0x1a8: {  	[tilespmem:s25+$0xFFFFFF00] =	vst v3;
	v2 =	vmul.f32 v57, v0  }
0x1a9: {  	[tilespmem:s25+$0xFFFFFF80] =	vst v1  }
0x1aa: {  	s22 =	sadd.s32 $0x1, s22;
	[tilespmem:s25+$0x0] =	vst v2  }
0x1ab: {  	[hbm4b:s12+s4] =	stream.linear.scatter [tilespmem:s20], [sflag:$0x2], $0x4000, $0x38;
	[tilespmem:$0x18100] =	vst v63  }
0x1ac: {  	p0 =	sne.s32 s22, s13;
	_ =	swait.ge [sflag:s21], $0x4000  }
.Ltmp4:
0x1ad: {  	[sflag:s21] =	ssyncset.done $0x0;
	(pc) =	sbr.rel @p0 .LBB2_1-.Ltmp4, $4  }
0x1ae: {  	[sflag:s21] =	ssyncadd.s32 $0xFFFFC000  }
0x1af: {  	_ =	swait.ge [sflag:s21], $0x4000  }
0x1b0: {  	[sflag:s21] =	ssyncset.done $0x0  }
0x1b1: {  	[sflag:s21] =	ssyncadd.s32 $0xFFFFC000  }
0x1b2: {  	_ =	sfence.sel $0x180000  }
0x1b3: {  	[bflag:$0x0] =	sbarrier.arrive $0xFFFF  }
0x1b4: {  	p0 =	sne.s32 s3, $0x0;
	_ =	strace $0x90000047  }
0x1b5: {  	s0 =	sadd.s32 @!p0 $0x100000, s0;
	[bflag:$0x2] =	sbarrier.arrive $0xFFFF  }
0x1b6: {  	[sflag:s0] =	ssyncadd.tile.s32 @!p0 $0x1;
	_ =	shalt  }
.Lfunc_end2:
_tile_overlayer_lowered:
.L_overlay_start_2:
0x1b7: {  	(tag) =	ssettag $0x2  }
0x1b8: {  	s0 =	rddreg [dreg:$0x0];
	s2 =	stileid.u32  }
0x1b9: {  	s1 =	rddreg [dreg:$0x1];
	p0 =	sne.s32 s2, $0x0  }
0x1ba: {  	s3 =	rddreg [dreg:$0x2];
	[bflag:$0x3] =	sbarrier.arrive $0xFFFF;
	s2 =	simm.s32 @!p0 $0x1C03  }
0x1bb: {  	[timem:s3], [sflag:s2] =	dma.local @!p0 [hbm:s0], s1  }
0x1bc: {  	s0 =	simm.s32 @!p0 $0x3  }
0x1bd: {  	_ =	swait.ge @!p0 [sflag:s0], s1  }
0x1be: {  	s1 =	ssub.s32 @!p0 $0x0, s1;
	[sflag:s0] =	ssyncset.done @!p0 $0x0  }
0x1bf: {  	[sflag:s0] =	ssyncadd.s32 @!p0 s1  }
0x1c0: {  	[bflag:$0x3] =	sbarrier.arrive $0xFFFF  }
0x1c1: {  	_ =	shalt  }

</sc_bundles>
